<compile_context>
chip_gen: v7x
topology: tpu7x:2x2x1
jax: 0.10.2.dev20260603
libtpu: 0.0.44.dev20260713+nightly
codegen_flags: <defaults>
</compile_context>

<pallas_src>
import functools

import jax
import jax.numpy as jnp
from jax import lax
from jax.experimental import pallas as pl
from jax.experimental.pallas import tpu as pltpu
from jax.experimental.pallas import tpu_sc as plsc

_VOCAB = 100000
_D = 64
_HID = 256
_NCLS = 128
_B = 4096
_L = 200

_NC = 2
_NS = 16
_NW = _NC * _NS
_BPT = _B // _NW
_CHUNKS = ((0, 104), (104, 96))
_NV = _D // 16

_ROWS_PER_IT = 4


def _sc_pool_body(x_hbm, emb_hbm, sums_hbm, idx_v, rows_v, out_v, sem0, sem1):
    wid = lax.axis_index("s") * _NC + lax.axis_index("c")
    base = wid * _BPT
    pltpu.sync_copy(x_hbm.at[pl.ds(base, _BPT)], idx_v)
    sems = (sem0, sem1)

    def fire(bag, buf):
        return [
            pltpu.async_copy(
                emb_hbm.at[idx_v.at[bag, pl.ds(off, ln)]],
                rows_v.at[buf, pl.ds(off, ln)],
                sems[buf],
            )
            for off, ln in _CHUNKS
        ]

    def drain(buf):
        for off, ln in _CHUNKS:
            pltpu.make_async_copy(
                emb_hbm.at[idx_v.at[0, pl.ds(off, ln)]],
                rows_v.at[buf, pl.ds(off, ln)],
                sems[buf],
            ).wait()

    def accumulate(pair, half, buf):
        def row_body(r, accs):
            r0 = r * _ROWS_PER_IT
            new = list(accs)
            for dr in range(_ROWS_PER_IT):
                for cc in range(_NV):
                    new[cc] = new[cc] + rows_v[buf, r0 + dr, pl.ds(cc * 16, 16)]
            return tuple(new)

        accs = lax.fori_loop(
            0, _L // _ROWS_PER_IT, row_body,
            tuple(jnp.zeros((16,), jnp.float32) for _ in range(_NV)),
        )
        for cc in range(_NV):
            out_v[pair, pl.ds(half * _D + cc * 16, 16)] = accs[cc]

    fire(0, 0)

    def pair_body(i, carry):
        bag = 2 * i
        fire(jnp.minimum(bag + 1, _BPT - 1), 1)
        drain(0)
        accumulate(i, 0, 0)
        fire(jnp.minimum(bag + 2, _BPT - 1), 0)
        drain(1)
        accumulate(i, 1, 1)
        return carry

    lax.fori_loop(0, _BPT // 2, pair_body, 0)
    drain(0)
    pltpu.sync_copy(out_v, sums_hbm.at[pl.ds(base // 2, _BPT // 2)])


@functools.cache
def _sc_pool():
    return pl.kernel(
        _sc_pool_body,
        out_type=jax.ShapeDtypeStruct((_B // 2, 2 * _D), jnp.float32),
        mesh=plsc.VectorSubcoreMesh(core_axis_name="c", subcore_axis_name="s"),
        scratch_types=[
            pltpu.VMEM((_BPT, _L), jnp.int32),
            pltpu.VMEM((2, _L, _D), jnp.float32),
            pltpu.VMEM((_BPT // 2, 2 * _D), jnp.float32),
            pltpu.SemaphoreType.DMA,
            pltpu.SemaphoreType.DMA,
        ],
        compiler_params=pltpu.CompilerParams(
            use_tc_tiling_on_sc=False, needs_layout_passes=False),
    )


_BM = 2048


def _mlp_body(sums_ref, x_ref, w1_ref, b1_ref, w2_ref, b2_ref, out_ref):
    cnt = jnp.sum((x_ref[...] != 0).astype(jnp.float32), axis=1, keepdims=True)
    cnt2 = jnp.maximum(cnt, 1.0).reshape(_BM // 2, 2, 1)
    s = sums_ref[...]
    outs = []
    for half in range(2):
        mean = s[:, half * _D:(half + 1) * _D] / cnt2[:, half, :]
        h = jnp.maximum(
            jnp.dot(mean, w1_ref[...], preferred_element_type=jnp.float32)
            + b1_ref[...],
            0.0,
        )
        outs.append(
            jnp.dot(h, w2_ref[...], preferred_element_type=jnp.float32)
            + b2_ref[...]
        )
    out_ref[...] = jnp.stack(outs, axis=1).reshape(_BM, _NCLS)


def _mlp(sums2, x, W1, b1, W2, b2):
    return pl.pallas_call(
        _mlp_body,
        grid=(_B // _BM,),
        in_specs=[
            pl.BlockSpec((_BM // 2, 2 * _D), lambda i: (i, 0)),
            pl.BlockSpec((_BM, _L), lambda i: (i, 0)),
            pl.BlockSpec((_D, _HID), lambda i: (0, 0)),
            pl.BlockSpec((1, _HID), lambda i: (0, 0)),
            pl.BlockSpec((_HID, _NCLS), lambda i: (0, 0)),
            pl.BlockSpec((1, _NCLS), lambda i: (0, 0)),
        ],
        out_specs=pl.BlockSpec((_BM, _NCLS), lambda i: (i, 0)),
        out_shape=jax.ShapeDtypeStruct((_B, _NCLS), jnp.float32),
    )(sums2, x, W1, b1, W2, b2)


def kernel(x, lengths, emb, W1, b1, W2, b2):
    del lengths
    x = x.astype(jnp.int32)
    sums2 = _sc_pool()(x, emb)
    return _mlp(sums2, x, W1, b1.reshape(1, _HID), W2, b2.reshape(1, _NCLS))

# --- scband reference (transcript-rebuilt; emitter-appended) ---
"""Pipeline reference for scband-mean-pool-classifier-52493090292291 (READ-ONLY COPY).

The authoritative reference and input builder live on the scoring server;
editing this copy changes nothing except your own understanding.
"""

import jax, jax.numpy as jnp
import numpy as np

VOCAB = 100000
EMB = 64
HID = 256
NCLS = 128
PAD_ID = 0
B, L = 4096, 200

def setup_inputs(seed: int = 0) -> dict:
    key = jax.random.key(seed)
    ks = jax.random.split(key, 8)
    x = jax.random.randint(ks[0], (B, L), 0, VOCAB, dtype=jnp.int64) if jax.config.jax_enable_x64 else jax.random.randint(ks[0], (B, L), 0, VOCAB, dtype=jnp.int32)
    lengths = jax.random.randint(ks[1], (B,), 0, L, dtype=x.dtype)
    emb = jax.random.normal(ks[2], (VOCAB, EMB), dtype=jnp.float32)
    emb = emb.at[PAD_ID].set(0.0)  # padding_idx row zero, as in nn.Embedding
    W1 = jax.random.normal(ks[3], (EMB, HID), dtype=jnp.float32) * (1.0 / np.sqrt(EMB))
    b1 = jnp.zeros((HID,), dtype=jnp.float32)
    W2 = jax.random.normal(ks[4], (HID, NCLS), dtype=jnp.float32) * (1.0 / np.sqrt(HID))
    b2 = jnp.zeros((NCLS,), dtype=jnp.float32)
    return {"x": x, "lengths": lengths, "emb": emb, "W1": W1, "b1": b1, "W2": W2, "b2": b2}

def reference(x, lengths, emb, W1, b1, W2, b2):
    e = jnp.take(emb, x, axis=0)                      # [B, L, EMB] gather
    mask = (x != PAD_ID)[..., None]                   # [B, L, 1]
    e = e * mask.astype(e.dtype)
    summed = jnp.sum(e, axis=1)                       # [B, EMB]
    denom = jnp.maximum(jnp.sum(mask, axis=1), 1).astype(e.dtype)  # clamp(min=1)
    mean = summed / denom
    h = jax.nn.relu(mean @ W1 + b1)
    # Dropout(0.2) is identity in eval mode
    logits = h @ W2 + b2
    return logits

if __name__ == "__main__":
    import jax
    _d = setup_inputs()
    print(jax.jit(kernel)(*tuple(_d.values())))

</pallas_src>

<mosaic_0001>
#map = affine_map<(d0, d1) -> (0, 0)>
module attributes {stable_mosaic.version = 14 : i64} {
  func.func @_sc_pool_body(%arg0: i32, %arg1: i32, %arg2: memref<4096x200xi32, #tpu.memory_space<hbm>>, %arg3: memref<100000x64xf32, #tpu.memory_space<hbm>>, %arg4: memref<2048x128xf32, #tpu.memory_space<hbm>>, %arg5: memref<128x200xi32, #tpu.memory_space<vmem>>, %arg6: memref<2x200x64xf32, #tpu.memory_space<vmem>>, %arg7: memref<64x128xf32, #tpu.memory_space<vmem>>, %arg8: memref<!tpu.dma_semaphore, #tpu.memory_space<semaphore_mem>>, %arg9: memref<!tpu.dma_semaphore, #tpu.memory_space<semaphore_mem>>) attributes {dimension_semantics = [#tpu.dimension_semantics<core_parallel>, #tpu.dimension_semantics<subcore_parallel>], iteration_bounds = array<i64: 2, 16>, scalar_prefetch = 0 : i64, scratch_operands = 5 : i64, tpu.core_type = #tpu.core_type<sc_vector_subcore>, window_params = [{transform_indices = #map}, {transform_indices = #map}, {transform_indices = #map}]} {
    %mul3A = arith.constant 2 : i32
    %mul3A_0 = arith.muli %arg1, %mul3A : i32
    %add3A = arith.addi %mul3A_0, %arg0 : i32
    %mul3A_1 = arith.constant 128 : i32
    %mul3A_2 = arith.muli %add3A, %mul3A_1 : i32
    "tpu.region"() ({
      %run_scoped3A = tpu.sem_alloc : memref<!tpu.dma_semaphore, #tpu.memory_space<semaphore_mem>>
      %dma_start3A_70 = arith.constant 0 : i32
      %dma_start3A_71 = tpu.memref_slice %arg2[%mul3A_2, %dma_start3A_70] : memref<4096x200xi32, #tpu.memory_space<hbm>> -> memref<128x200xi32, #tpu.memory_space<hbm>>
      %dma_start3A_72 = arith.constant 0 : i32
      %dma_start3A_73 = tpu.memref_slice %arg2[%mul3A_2, %dma_start3A_72] : memref<4096x200xi32, #tpu.memory_space<hbm>> -> memref<128x200xi32, #tpu.memory_space<hbm>>
      tpu.enqueue_dma source(%dma_start3A_73 : memref<128x200xi32, #tpu.memory_space<hbm>>) target(%arg5 : memref<128x200xi32, #tpu.memory_space<vmem>>) target_semaphore(%run_scoped3A : memref<!tpu.dma_semaphore, #tpu.memory_space<semaphore_mem>>)
      %dma_wait3A_74 = arith.constant 0 : i32
      %dma_wait3A_75 = tpu.memref_slice %arg2[%mul3A_2, %dma_wait3A_74] : memref<4096x200xi32, #tpu.memory_space<hbm>> -> memref<128x200xi32, #tpu.memory_space<hbm>>
      %dma_wait3A_76 = arith.constant 0 : i32
      %dma_wait3A_77 = tpu.memref_slice %arg2[%mul3A_2, %dma_wait3A_76] : memref<4096x200xi32, #tpu.memory_space<hbm>> -> memref<128x200xi32, #tpu.memory_space<hbm>>
      tpu.wait_dma2 semaphore(%run_scoped3A : memref<!tpu.dma_semaphore, #tpu.memory_space<semaphore_mem>>) src(%dma_wait3A_77 : memref<128x200xi32, #tpu.memory_space<hbm>>) dst(%arg5 : memref<128x200xi32, #tpu.memory_space<vmem>>)
      tpu.yield
    }) : () -> ()
    %dma_start3A = arith.constant 0 : i32
    %dma_start3A_3 = arith.constant 0 : i32
    %dma_start3A_4 = arith.constant 0 : i32
    %dma_start3A_5 = arith.constant 0 : i32
    %dma_start3A_6 = tpu.memref_slice %arg6[%dma_start3A_3, %dma_start3A_4, %dma_start3A_5] : memref<2x200x64xf32, #tpu.memory_space<vmem>> -> memref<1x104x64xf32, #tpu.memory_space<vmem>>
    %dma_start3A_7 = tpu.memref_squeeze %dma_start3A_6 : memref<1x104x64xf32, #tpu.memory_space<vmem>> -> memref<104x64xf32, #tpu.memory_space<vmem>>
    %dma_start3A_8 = arith.constant 0 : i32
    %dma_start3A_9 = tpu.memref_slice %arg5[%dma_start3A, %dma_start3A_8] : memref<128x200xi32, #tpu.memory_space<vmem>> -> memref<1x104xi32, #tpu.memory_space<vmem>>
    %dma_start3A_10 = tpu.memref_squeeze %dma_start3A_9 : memref<1x104xi32, #tpu.memory_space<vmem>> -> memref<104xi32, #tpu.memory_space<vmem>>
    %dma_start3A_11 = arith.constant 0 : i32
    %dma_start3A_12 = arith.constant 0 : i32
    %dma_start3A_13 = tpu.memref_slice %arg3[%dma_start3A_11, %dma_start3A_12] : memref<100000x64xf32, #tpu.memory_space<hbm>> -> memref<100000x64xf32, #tpu.memory_space<hbm>>
    tpu.enqueue_indirect_dma source(%dma_start3A_13 : memref<100000x64xf32, #tpu.memory_space<hbm>>) target(%dma_start3A_7 : memref<104x64xf32, #tpu.memory_space<vmem>>) offsets(%dma_start3A_10 : memref<104xi32, #tpu.memory_space<vmem>>) semaphore(%arg8 : memref<!tpu.dma_semaphore, #tpu.memory_space<semaphore_mem>>)
    %dma_start3A_14 = arith.constant 0 : i32
    %dma_start3A_15 = arith.constant 0 : i32
    %dma_start3A_16 = arith.constant 104 : i32
    %dma_start3A_17 = arith.constant 0 : i32
    %dma_start3A_18 = tpu.memref_slice %arg6[%dma_start3A_15, %dma_start3A_16, %dma_start3A_17] : memref<2x200x64xf32, #tpu.memory_space<vmem>> -> memref<1x96x64xf32, #tpu.memory_space<vmem>>
    %dma_start3A_19 = tpu.memref_squeeze %dma_start3A_18 : memref<1x96x64xf32, #tpu.memory_space<vmem>> -> memref<96x64xf32, #tpu.memory_space<vmem>>
    %dma_start3A_20 = arith.constant 104 : i32
    %dma_start3A_21 = tpu.memref_slice %arg5[%dma_start3A_14, %dma_start3A_20] : memref<128x200xi32, #tpu.memory_space<vmem>> -> memref<1x96xi32, #tpu.memory_space<vmem>>
    %dma_start3A_22 = tpu.memref_squeeze %dma_start3A_21 : memref<1x96xi32, #tpu.memory_space<vmem>> -> memref<96xi32, #tpu.memory_space<vmem>>
    %dma_start3A_23 = arith.constant 0 : i32
    %dma_start3A_24 = arith.constant 0 : i32
    %dma_start3A_25 = tpu.memref_slice %arg3[%dma_start3A_23, %dma_start3A_24] : memref<100000x64xf32, #tpu.memory_space<hbm>> -> memref<100000x64xf32, #tpu.memory_space<hbm>>
    tpu.enqueue_indirect_dma source(%dma_start3A_25 : memref<100000x64xf32, #tpu.memory_space<hbm>>) target(%dma_start3A_19 : memref<96x64xf32, #tpu.memory_space<vmem>>) offsets(%dma_start3A_22 : memref<96xi32, #tpu.memory_space<vmem>>) semaphore(%arg8 : memref<!tpu.dma_semaphore, #tpu.memory_space<semaphore_mem>>)
    %scan3A = arith.constant 0 : i32
    %scan3A_26 = arith.constant 0 : i32
    %scan3A_27 = arith.constant 64 : i32
    %scan3A_28 = arith.addi %scan3A_26, %scan3A_27 : i32
    %scan3A_29 = arith.constant 1 : i32
    scf.for %scan3A_70 = %scan3A_26 to %scan3A_28 step %scan3A_29  : i32 {
      %mul3A_71 = arith.constant 2 : i32
      %mul3A_72 = arith.muli %mul3A_71, %scan3A_70 : i32
      %add3A_73 = arith.constant 1 : i32
      %add3A_74 = arith.addi %mul3A_72, %add3A_73 : i32
      %min3A = arith.constant 127 : i32
      %min3A_75 = arith.minsi %add3A_74, %min3A : i32
      %dma_start3A_76 = arith.constant 1 : i32
      %dma_start3A_77 = arith.constant 0 : i32
      %dma_start3A_78 = arith.constant 0 : i32
      %dma_start3A_79 = tpu.memref_slice %arg6[%dma_start3A_76, %dma_start3A_77, %dma_start3A_78] : memref<2x200x64xf32, #tpu.memory_space<vmem>> -> memref<1x104x64xf32, #tpu.memory_space<vmem>>
      %dma_start3A_80 = tpu.memref_squeeze %dma_start3A_79 : memref<1x104x64xf32, #tpu.memory_space<vmem>> -> memref<104x64xf32, #tpu.memory_space<vmem>>
      %dma_start3A_81 = arith.constant 0 : i32
      %dma_start3A_82 = tpu.memref_slice %arg5[%min3A_75, %dma_start3A_81] : memref<128x200xi32, #tpu.memory_space<vmem>> -> memref<1x104xi32, #tpu.memory_space<vmem>>
      %dma_start3A_83 = tpu.memref_squeeze %dma_start3A_82 : memref<1x104xi32, #tpu.memory_space<vmem>> -> memref<104xi32, #tpu.memory_space<vmem>>
      %dma_start3A_84 = arith.constant 0 : i32
      %dma_start3A_85 = arith.constant 0 : i32
      %dma_start3A_86 = tpu.memref_slice %arg3[%dma_start3A_84, %dma_start3A_85] : memref<100000x64xf32, #tpu.memory_space<hbm>> -> memref<100000x64xf32, #tpu.memory_space<hbm>>
      tpu.enqueue_indirect_dma source(%dma_start3A_86 : memref<100000x64xf32, #tpu.memory_space<hbm>>) target(%dma_start3A_80 : memref<104x64xf32, #tpu.memory_space<vmem>>) offsets(%dma_start3A_83 : memref<104xi32, #tpu.memory_space<vmem>>) semaphore(%arg9 : memref<!tpu.dma_semaphore, #tpu.memory_space<semaphore_mem>>)
      %dma_start3A_87 = arith.constant 1 : i32
      %dma_start3A_88 = arith.constant 104 : i32
      %dma_start3A_89 = arith.constant 0 : i32
      %dma_start3A_90 = tpu.memref_slice %arg6[%dma_start3A_87, %dma_start3A_88, %dma_start3A_89] : memref<2x200x64xf32, #tpu.memory_space<vmem>> -> memref<1x96x64xf32, #tpu.memory_space<vmem>>
      %dma_start3A_91 = tpu.memref_squeeze %dma_start3A_90 : memref<1x96x64xf32, #tpu.memory_space<vmem>> -> memref<96x64xf32, #tpu.memory_space<vmem>>
      %dma_start3A_92 = arith.constant 104 : i32
      %dma_start3A_93 = tpu.memref_slice %arg5[%min3A_75, %dma_start3A_92] : memref<128x200xi32, #tpu.memory_space<vmem>> -> memref<1x96xi32, #tpu.memory_space<vmem>>
      %dma_start3A_94 = tpu.memref_squeeze %dma_start3A_93 : memref<1x96xi32, #tpu.memory_space<vmem>> -> memref<96xi32, #tpu.memory_space<vmem>>
      %dma_start3A_95 = arith.constant 0 : i32
      %dma_start3A_96 = arith.constant 0 : i32
      %dma_start3A_97 = tpu.memref_slice %arg3[%dma_start3A_95, %dma_start3A_96] : memref<100000x64xf32, #tpu.memory_space<hbm>> -> memref<100000x64xf32, #tpu.memory_space<hbm>>
      tpu.enqueue_indirect_dma source(%dma_start3A_97 : memref<100000x64xf32, #tpu.memory_space<hbm>>) target(%dma_start3A_91 : memref<96x64xf32, #tpu.memory_space<vmem>>) offsets(%dma_start3A_94 : memref<96xi32, #tpu.memory_space<vmem>>) semaphore(%arg9 : memref<!tpu.dma_semaphore, #tpu.memory_space<semaphore_mem>>)
      %dma_wait3A_98 = arith.constant 0 : i32
      %dma_wait3A_99 = arith.constant 0 : i32
      %dma_wait3A_100 = arith.constant 0 : i32
      %dma_wait3A_101 = arith.constant 0 : i32
      %dma_wait3A_102 = tpu.memref_slice %arg6[%dma_wait3A_99, %dma_wait3A_100, %dma_wait3A_101] : memref<2x200x64xf32, #tpu.memory_space<vmem>> -> memref<1x104x64xf32, #tpu.memory_space<vmem>>
      %dma_wait3A_103 = tpu.memref_squeeze %dma_wait3A_102 : memref<1x104x64xf32, #tpu.memory_space<vmem>> -> memref<104x64xf32, #tpu.memory_space<vmem>>
      %dma_wait3A_104 = arith.constant 0 : i32
      %dma_wait3A_105 = tpu.memref_slice %arg5[%dma_wait3A_98, %dma_wait3A_104] : memref<128x200xi32, #tpu.memory_space<vmem>> -> memref<1x104xi32, #tpu.memory_space<vmem>>
      %dma_wait3A_106 = tpu.memref_squeeze %dma_wait3A_105 : memref<1x104xi32, #tpu.memory_space<vmem>> -> memref<104xi32, #tpu.memory_space<vmem>>
      %dma_wait3A_107 = arith.constant 0 : i32
      %dma_wait3A_108 = arith.constant 0 : i32
      %dma_wait3A_109 = tpu.memref_slice %arg3[%dma_wait3A_107, %dma_wait3A_108] : memref<100000x64xf32, #tpu.memory_space<hbm>> -> memref<100000x64xf32, #tpu.memory_space<hbm>>
      tpu.wait_indirect_dma semaphore(%arg8 : memref<!tpu.dma_semaphore, #tpu.memory_space<semaphore_mem>>) src(%dma_wait3A_109 : memref<100000x64xf32, #tpu.memory_space<hbm>>) dst(%dma_wait3A_103 : memref<104x64xf32, #tpu.memory_space<vmem>>)
      %dma_wait3A_110 = arith.constant 0 : i32
      %dma_wait3A_111 = arith.constant 0 : i32
      %dma_wait3A_112 = arith.constant 104 : i32
      %dma_wait3A_113 = arith.constant 0 : i32
      %dma_wait3A_114 = tpu.memref_slice %arg6[%dma_wait3A_111, %dma_wait3A_112, %dma_wait3A_113] : memref<2x200x64xf32, #tpu.memory_space<vmem>> -> memref<1x96x64xf32, #tpu.memory_space<vmem>>
      %dma_wait3A_115 = tpu.memref_squeeze %dma_wait3A_114 : memref<1x96x64xf32, #tpu.memory_space<vmem>> -> memref<96x64xf32, #tpu.memory_space<vmem>>
      %dma_wait3A_116 = arith.constant 104 : i32
      %dma_wait3A_117 = tpu.memref_slice %arg5[%dma_wait3A_110, %dma_wait3A_116] : memref<128x200xi32, #tpu.memory_space<vmem>> -> memref<1x96xi32, #tpu.memory_space<vmem>>
      %dma_wait3A_118 = tpu.memref_squeeze %dma_wait3A_117 : memref<1x96xi32, #tpu.memory_space<vmem>> -> memref<96xi32, #tpu.memory_space<vmem>>
      %dma_wait3A_119 = arith.constant 0 : i32
      %dma_wait3A_120 = arith.constant 0 : i32
      %dma_wait3A_121 = tpu.memref_slice %arg3[%dma_wait3A_119, %dma_wait3A_120] : memref<100000x64xf32, #tpu.memory_space<hbm>> -> memref<100000x64xf32, #tpu.memory_space<hbm>>
      tpu.wait_indirect_dma semaphore(%arg8 : memref<!tpu.dma_semaphore, #tpu.memory_space<semaphore_mem>>) src(%dma_wait3A_121 : memref<100000x64xf32, #tpu.memory_space<hbm>>) dst(%dma_wait3A_115 : memref<96x64xf32, #tpu.memory_space<vmem>>)
      %broadcast_in_dim3A = arith.constant 0.000000e+00 : f32
      %broadcast_in_dim3A_122 = vector.broadcast %broadcast_in_dim3A : f32 to vector<16xf32>
      %broadcast_in_dim3A_123 = arith.constant 0.000000e+00 : f32
      %broadcast_in_dim3A_124 = vector.broadcast %broadcast_in_dim3A_123 : f32 to vector<16xf32>
      %broadcast_in_dim3A_125 = arith.constant 0.000000e+00 : f32
      %broadcast_in_dim3A_126 = vector.broadcast %broadcast_in_dim3A_125 : f32 to vector<16xf32>
      %broadcast_in_dim3A_127 = arith.constant 0.000000e+00 : f32
      %broadcast_in_dim3A_128 = vector.broadcast %broadcast_in_dim3A_127 : f32 to vector<16xf32>
      %scan3A_129 = arith.constant 0 : i32
      %scan3A_130 = arith.constant 50 : i32
      %scan3A_131 = arith.addi %scan3A_129, %scan3A_130 : i32
      %scan3A_132 = arith.constant 1 : i32
      %scan3A_133:4 = scf.for %scan3A_222 = %scan3A_129 to %scan3A_131 step %scan3A_132 iter_args(%scan3A_223 = %broadcast_in_dim3A_122, %scan3A_224 = %broadcast_in_dim3A_124, %scan3A_225 = %broadcast_in_dim3A_126, %scan3A_226 = %broadcast_in_dim3A_128) -> (vector<16xf32>, vector<16xf32>, vector<16xf32>, vector<16xf32>)  : i32 {
        %mul3A_227 = arith.constant 4 : i32
        %mul3A_228 = arith.muli %scan3A_222, %mul3A_227 : i32
        %add3A_229 = arith.constant 0 : i32
        %add3A_230 = arith.addi %mul3A_228, %add3A_229 : i32
        %get3A = arith.constant 0 : i32
        %get3A_231 = arith.index_cast %get3A : i32 to index
        %get3A_232 = arith.index_cast %add3A_230 : i32 to index
        %get3A_233 = arith.constant 0 : index
        %get3A_234 = tpu.vector_load %arg6[%get3A_231, %get3A_232, %get3A_233] {strides = array<i32>} : memref<2x200x64xf32, #tpu.memory_space<vmem>>, vector<16xf32>,
        %add3A_235 = arith.addf %scan3A_223, %get3A_234 : vector<16xf32>
        %add3A_236 = arith.constant 0 : i32
        %add3A_237 = arith.addi %mul3A_228, %add3A_236 : i32
        %get3A_238 = arith.constant 0 : i32
        %get3A_239 = arith.index_cast %get3A_238 : i32 to index
        %get3A_240 = arith.index_cast %add3A_237 : i32 to index
        %get3A_241 = arith.constant 16 : index
        %get3A_242 = tpu.vector_load %arg6[%get3A_239, %get3A_240, %get3A_241] {strides = array<i32>} : memref<2x200x64xf32, #tpu.memory_space<vmem>>, vector<16xf32>,
        %add3A_243 = arith.addf %scan3A_224, %get3A_242 : vector<16xf32>
        %add3A_244 = arith.constant 0 : i32
        %add3A_245 = arith.addi %mul3A_228, %add3A_244 : i32
        %get3A_246 = arith.constant 0 : i32
        %get3A_247 = arith.index_cast %get3A_246 : i32 to index
        %get3A_248 = arith.index_cast %add3A_245 : i32 to index
        %get3A_249 = arith.constant 32 : index
        %get3A_250 = tpu.vector_load %arg6[%get3A_247, %get3A_248, %get3A_249] {strides = array<i32>} : memref<2x200x64xf32, #tpu.memory_space<vmem>>, vector<16xf32>,
        %add3A_251 = arith.addf %scan3A_225, %get3A_250 : vector<16xf32>
        %add3A_252 = arith.constant 0 : i32
        %add3A_253 = arith.addi %mul3A_228, %add3A_252 : i32
        %get3A_254 = arith.constant 0 : i32
        %get3A_255 = arith.index_cast %get3A_254 : i32 to index
        %get3A_256 = arith.index_cast %add3A_253 : i32 to index
        %get3A_257 = arith.constant 48 : index
        %get3A_258 = tpu.vector_load %arg6[%get3A_255, %get3A_256, %get3A_257] {strides = array<i32>} : memref<2x200x64xf32, #tpu.memory_space<vmem>>, vector<16xf32>,
        %add3A_259 = arith.addf %scan3A_226, %get3A_258 : vector<16xf32>
        %add3A_260 = arith.constant 1 : i32
        %add3A_261 = arith.addi %mul3A_228, %add3A_260 : i32
        %get3A_262 = arith.constant 0 : i32
        %get3A_263 = arith.index_cast %get3A_262 : i32 to index
        %get3A_264 = arith.index_cast %add3A_261 : i32 to index
        %get3A_265 = arith.constant 0 : index
        %get3A_266 = tpu.vector_load %arg6[%get3A_263, %get3A_264, %get3A_265] {strides = array<i32>} : memref<2x200x64xf32, #tpu.memory_space<vmem>>, vector<16xf32>,
        %add3A_267 = arith.addf %add3A_235, %get3A_266 : vector<16xf32>
        %add3A_268 = arith.constant 1 : i32
        %add3A_269 = arith.addi %mul3A_228, %add3A_268 : i32
        %get3A_270 = arith.constant 0 : i32
        %get3A_271 = arith.index_cast %get3A_270 : i32 to index
        %get3A_272 = arith.index_cast %add3A_269 : i32 to index
        %get3A_273 = arith.constant 16 : index
        %get3A_274 = tpu.vector_load %arg6[%get3A_271, %get3A_272, %get3A_273] {strides = array<i32>} : memref<2x200x64xf32, #tpu.memory_space<vmem>>, vector<16xf32>,
        %add3A_275 = arith.addf %add3A_243, %get3A_274 : vector<16xf32>
        %add3A_276 = arith.constant 1 : i32
        %add3A_277 = arith.addi %mul3A_228, %add3A_276 : i32
        %get3A_278 = arith.constant 0 : i32
        %get3A_279 = arith.index_cast %get3A_278 : i32 to index
        %get3A_280 = arith.index_cast %add3A_277 : i32 to index
        %get3A_281 = arith.constant 32 : index
        %get3A_282 = tpu.vector_load %arg6[%get3A_279, %get3A_280, %get3A_281] {strides = array<i32>} : memref<2x200x64xf32, #tpu.memory_space<vmem>>, vector<16xf32>,
        %add3A_283 = arith.addf %add3A_251, %get3A_282 : vector<16xf32>
        %add3A_284 = arith.constant 1 : i32
        %add3A_285 = arith.addi %mul3A_228, %add3A_284 : i32
        %get3A_286 = arith.constant 0 : i32
        %get3A_287 = arith.index_cast %get3A_286 : i32 to index
        %get3A_288 = arith.index_cast %add3A_285 : i32 to index
        %get3A_289 = arith.constant 48 : index
        %get3A_290 = tpu.vector_load %arg6[%get3A_287, %get3A_288, %get3A_289] {strides = array<i32>} : memref<2x200x64xf32, #tpu.memory_space<vmem>>, vector<16xf32>,
        %add3A_291 = arith.addf %add3A_259, %get3A_290 : vector<16xf32>
        %add3A_292 = arith.constant 2 : i32
        %add3A_293 = arith.addi %mul3A_228, %add3A_292 : i32
        %get3A_294 = arith.constant 0 : i32
        %get3A_295 = arith.index_cast %get3A_294 : i32 to index
        %get3A_296 = arith.index_cast %add3A_293 : i32 to index
        %get3A_297 = arith.constant 0 : index
        %get3A_298 = tpu.vector_load %arg6[%get3A_295, %get3A_296, %get3A_297] {strides = array<i32>} : memref<2x200x64xf32, #tpu.memory_space<vmem>>, vector<16xf32>,
        %add3A_299 = arith.addf %add3A_267, %get3A_298 : vector<16xf32>
        %add3A_300 = arith.constant 2 : i32
        %add3A_301 = arith.addi %mul3A_228, %add3A_300 : i32
        %get3A_302 = arith.constant 0 : i32
        %get3A_303 = arith.index_cast %get3A_302 : i32 to index
        %get3A_304 = arith.index_cast %add3A_301 : i32 to index
        %get3A_305 = arith.constant 16 : index
        %get3A_306 = tpu.vector_load %arg6[%get3A_303, %get3A_304, %get3A_305] {strides = array<i32>} : memref<2x200x64xf32, #tpu.memory_space<vmem>>, vector<16xf32>,
        %add3A_307 = arith.addf %add3A_275, %get3A_306 : vector<16xf32>
        %add3A_308 = arith.constant 2 : i32
        %add3A_309 = arith.addi %mul3A_228, %add3A_308 : i32
        %get3A_310 = arith.constant 0 : i32
        %get3A_311 = arith.index_cast %get3A_310 : i32 to index
        %get3A_312 = arith.index_cast %add3A_309 : i32 to index
        %get3A_313 = arith.constant 32 : index
        %get3A_314 = tpu.vector_load %arg6[%get3A_311, %get3A_312, %get3A_313] {strides = array<i32>} : memref<2x200x64xf32, #tpu.memory_space<vmem>>, vector<16xf32>,
        %add3A_315 = arith.addf %add3A_283, %get3A_314 : vector<16xf32>
        %add3A_316 = arith.constant 2 : i32
        %add3A_317 = arith.addi %mul3A_228, %add3A_316 : i32
        %get3A_318 = arith.constant 0 : i32
        %get3A_319 = arith.index_cast %get3A_318 : i32 to index
        %get3A_320 = arith.index_cast %add3A_317 : i32 to index
        %get3A_321 = arith.constant 48 : index
        %get3A_322 = tpu.vector_load %arg6[%get3A_319, %get3A_320, %get3A_321] {strides = array<i32>} : memref<2x200x64xf32, #tpu.memory_space<vmem>>, vector<16xf32>,
        %add3A_323 = arith.addf %add3A_291, %get3A_322 : vector<16xf32>
        %add3A_324 = arith.constant 3 : i32
        %add3A_325 = arith.addi %mul3A_228, %add3A_324 : i32
        %get3A_326 = arith.constant 0 : i32
        %get3A_327 = arith.index_cast %get3A_326 : i32 to index
        %get3A_328 = arith.index_cast %add3A_325 : i32 to index
        %get3A_329 = arith.constant 0 : index
        %get3A_330 = tpu.vector_load %arg6[%get3A_327, %get3A_328, %get3A_329] {strides = array<i32>} : memref<2x200x64xf32, #tpu.memory_space<vmem>>, vector<16xf32>,
        %add3A_331 = arith.addf %add3A_299, %get3A_330 : vector<16xf32>
        %add3A_332 = arith.constant 3 : i32
        %add3A_333 = arith.addi %mul3A_228, %add3A_332 : i32
        %get3A_334 = arith.constant 0 : i32
        %get3A_335 = arith.index_cast %get3A_334 : i32 to index
        %get3A_336 = arith.index_cast %add3A_333 : i32 to index
        %get3A_337 = arith.constant 16 : index
        %get3A_338 = tpu.vector_load %arg6[%get3A_335, %get3A_336, %get3A_337] {strides = array<i32>} : memref<2x200x64xf32, #tpu.memory_space<vmem>>, vector<16xf32>,
        %add3A_339 = arith.addf %add3A_307, %get3A_338 : vector<16xf32>
        %add3A_340 = arith.constant 3 : i32
        %add3A_341 = arith.addi %mul3A_228, %add3A_340 : i32
        %get3A_342 = arith.constant 0 : i32
        %get3A_343 = arith.index_cast %get3A_342 : i32 to index
        %get3A_344 = arith.index_cast %add3A_341 : i32 to index
        %get3A_345 = arith.constant 32 : index
        %get3A_346 = tpu.vector_load %arg6[%get3A_343, %get3A_344, %get3A_345] {strides = array<i32>} : memref<2x200x64xf32, #tpu.memory_space<vmem>>, vector<16xf32>,
        %add3A_347 = arith.addf %add3A_315, %get3A_346 : vector<16xf32>
        %add3A_348 = arith.constant 3 : i32
        %add3A_349 = arith.addi %mul3A_228, %add3A_348 : i32
        %get3A_350 = arith.constant 0 : i32
        %get3A_351 = arith.index_cast %get3A_350 : i32 to index
        %get3A_352 = arith.index_cast %add3A_349 : i32 to index
        %get3A_353 = arith.constant 48 : index
        %get3A_354 = tpu.vector_load %arg6[%get3A_351, %get3A_352, %get3A_353] {strides = array<i32>} : memref<2x200x64xf32, #tpu.memory_space<vmem>>, vector<16xf32>,
        %add3A_355 = arith.addf %add3A_323, %get3A_354 : vector<16xf32>
        scf.yield %add3A_331, %add3A_339, %add3A_347, %add3A_355 : vector<16xf32>, vector<16xf32>, vector<16xf32>, vector<16xf32>
      }
      %scan3A_134 = arith.constant 50 : i32
      %swap3A = arith.index_cast %scan3A_70 : i32 to index
      %swap3A_135 = arith.constant 0 : index
      %swap3A_136 = tpu.vector_load %arg7[%swap3A, %swap3A_135] {strides = array<i32>} : memref<64x128xf32, #tpu.memory_space<vmem>>, vector<16xf32>,
      tpu.vector_store %arg7[%swap3A, %swap3A_135], %scan3A_133#0 {strides = array<i32>} : memref<64x128xf32, #tpu.memory_space<vmem>>, vector<16xf32>,
      %swap3A_137 = arith.index_cast %scan3A_70 : i32 to index
      %swap3A_138 = arith.constant 16 : index
      %swap3A_139 = tpu.vector_load %arg7[%swap3A_137, %swap3A_138] {strides = array<i32>} : memref<64x128xf32, #tpu.memory_space<vmem>>, vector<16xf32>,
      tpu.vector_store %arg7[%swap3A_137, %swap3A_138], %scan3A_133#1 {strides = array<i32>} : memref<64x128xf32, #tpu.memory_space<vmem>>, vector<16xf32>,
      %swap3A_140 = arith.index_cast %scan3A_70 : i32 to index
      %swap3A_141 = arith.constant 32 : index
      %swap3A_142 = tpu.vector_load %arg7[%swap3A_140, %swap3A_141] {strides = array<i32>} : memref<64x128xf32, #tpu.memory_space<vmem>>, vector<16xf32>,
      tpu.vector_store %arg7[%swap3A_140, %swap3A_141], %scan3A_133#2 {strides = array<i32>} : memref<64x128xf32, #tpu.memory_space<vmem>>, vector<16xf32>,
      %swap3A_143 = arith.index_cast %scan3A_70 : i32 to index
      %swap3A_144 = arith.constant 48 : index
      %swap3A_145 = tpu.vector_load %arg7[%swap3A_143, %swap3A_144] {strides = array<i32>} : memref<64x128xf32, #tpu.memory_space<vmem>>, vector<16xf32>,
      tpu.vector_store %arg7[%swap3A_143, %swap3A_144], %scan3A_133#3 {strides = array<i32>} : memref<64x128xf32, #tpu.memory_space<vmem>>, vector<16xf32>,
      %add3A_146 = arith.constant 2 : i32
      %add3A_147 = arith.addi %mul3A_72, %add3A_146 : i32
      %min3A_148 = arith.constant 127 : i32
      %min3A_149 = arith.minsi %add3A_147, %min3A_148 : i32
      %dma_start3A_150 = arith.constant 0 : i32
      %dma_start3A_151 = arith.constant 0 : i32
      %dma_start3A_152 = arith.constant 0 : i32
      %dma_start3A_153 = tpu.memref_slice %arg6[%dma_start3A_150, %dma_start3A_151, %dma_start3A_152] : memref<2x200x64xf32, #tpu.memory_space<vmem>> -> memref<1x104x64xf32, #tpu.memory_space<vmem>>
      %dma_start3A_154 = tpu.memref_squeeze %dma_start3A_153 : memref<1x104x64xf32, #tpu.memory_space<vmem>> -> memref<104x64xf32, #tpu.memory_space<vmem>>
      %dma_start3A_155 = arith.constant 0 : i32
      %dma_start3A_156 = tpu.memref_slice %arg5[%min3A_149, %dma_start3A_155] : memref<128x200xi32, #tpu.memory_space<vmem>> -> memref<1x104xi32, #tpu.memory_space<vmem>>
      %dma_start3A_157 = tpu.memref_squeeze %dma_start3A_156 : memref<1x104xi32, #tpu.memory_space<vmem>> -> memref<104xi32, #tpu.memory_space<vmem>>
      %dma_start3A_158 = arith.constant 0 : i32
      %dma_start3A_159 = arith.constant 0 : i32
      %dma_start3A_160 = tpu.memref_slice %arg3[%dma_start3A_158, %dma_start3A_159] : memref<100000x64xf32, #tpu.memory_space<hbm>> -> memref<100000x64xf32, #tpu.memory_space<hbm>>
      tpu.enqueue_indirect_dma source(%dma_start3A_160 : memref<100000x64xf32, #tpu.memory_space<hbm>>) target(%dma_start3A_154 : memref<104x64xf32, #tpu.memory_space<vmem>>) offsets(%dma_start3A_157 : memref<104xi32, #tpu.memory_space<vmem>>) semaphore(%arg8 : memref<!tpu.dma_semaphore, #tpu.memory_space<semaphore_mem>>)
      %dma_start3A_161 = arith.constant 0 : i32
      %dma_start3A_162 = arith.constant 104 : i32
      %dma_start3A_163 = arith.constant 0 : i32
      %dma_start3A_164 = tpu.memref_slice %arg6[%dma_start3A_161, %dma_start3A_162, %dma_start3A_163] : memref<2x200x64xf32, #tpu.memory_space<vmem>> -> memref<1x96x64xf32, #tpu.memory_space<vmem>>
      %dma_start3A_165 = tpu.memref_squeeze %dma_start3A_164 : memref<1x96x64xf32, #tpu.memory_space<vmem>> -> memref<96x64xf32, #tpu.memory_space<vmem>>
      %dma_start3A_166 = arith.constant 104 : i32
      %dma_start3A_167 = tpu.memref_slice %arg5[%min3A_149, %dma_start3A_166] : memref<128x200xi32, #tpu.memory_space<vmem>> -> memref<1x96xi32, #tpu.memory_space<vmem>>
      %dma_start3A_168 = tpu.memref_squeeze %dma_start3A_167 : memref<1x96xi32, #tpu.memory_space<vmem>> -> memref<96xi32, #tpu.memory_space<vmem>>
      %dma_start3A_169 = arith.constant 0 : i32
      %dma_start3A_170 = arith.constant 0 : i32
      %dma_start3A_171 = tpu.memref_slice %arg3[%dma_start3A_169, %dma_start3A_170] : memref<100000x64xf32, #tpu.memory_space<hbm>> -> memref<100000x64xf32, #tpu.memory_space<hbm>>
      tpu.enqueue_indirect_dma source(%dma_start3A_171 : memref<100000x64xf32, #tpu.memory_space<hbm>>) target(%dma_start3A_165 : memref<96x64xf32, #tpu.memory_space<vmem>>) offsets(%dma_start3A_168 : memref<96xi32, #tpu.memory_space<vmem>>) semaphore(%arg8 : memref<!tpu.dma_semaphore, #tpu.memory_space<semaphore_mem>>)
      %dma_wait3A_172 = arith.constant 0 : i32
      %dma_wait3A_173 = arith.constant 1 : i32
      %dma_wait3A_174 = arith.constant 0 : i32
      %dma_wait3A_175 = arith.constant 0 : i32
      %dma_wait3A_176 = tpu.memref_slice %arg6[%dma_wait3A_173, %dma_wait3A_174, %dma_wait3A_175] : memref<2x200x64xf32, #tpu.memory_space<vmem>> -> memref<1x104x64xf32, #tpu.memory_space<vmem>>
      %dma_wait3A_177 = tpu.memref_squeeze %dma_wait3A_176 : memref<1x104x64xf32, #tpu.memory_space<vmem>> -> memref<104x64xf32, #tpu.memory_space<vmem>>
      %dma_wait3A_178 = arith.constant 0 : i32
      %dma_wait3A_179 = tpu.memref_slice %arg5[%dma_wait3A_172, %dma_wait3A_178] : memref<128x200xi32, #tpu.memory_space<vmem>> -> memref<1x104xi32, #tpu.memory_space<vmem>>
      %dma_wait3A_180 = tpu.memref_squeeze %dma_wait3A_179 : memref<1x104xi32, #tpu.memory_space<vmem>> -> memref<104xi32, #tpu.memory_space<vmem>>
      %dma_wait3A_181 = arith.constant 0 : i32
      %dma_wait3A_182 = arith.constant 0 : i32
      %dma_wait3A_183 = tpu.memref_slice %arg3[%dma_wait3A_181, %dma_wait3A_182] : memref<100000x64xf32, #tpu.memory_space<hbm>> -> memref<100000x64xf32, #tpu.memory_space<hbm>>
      tpu.wait_indirect_dma semaphore(%arg9 : memref<!tpu.dma_semaphore, #tpu.memory_space<semaphore_mem>>) src(%dma_wait3A_183 : memref<100000x64xf32, #tpu.memory_space<hbm>>) dst(%dma_wait3A_177 : memref<104x64xf32, #tpu.memory_space<vmem>>)
      %dma_wait3A_184 = arith.constant 0 : i32
      %dma_wait3A_185 = arith.constant 1 : i32
      %dma_wait3A_186 = arith.constant 104 : i32
      %dma_wait3A_187 = arith.constant 0 : i32
      %dma_wait3A_188 = tpu.memref_slice %arg6[%dma_wait3A_185, %dma_wait3A_186, %dma_wait3A_187] : memref<2x200x64xf32, #tpu.memory_space<vmem>> -> memref<1x96x64xf32, #tpu.memory_space<vmem>>
      %dma_wait3A_189 = tpu.memref_squeeze %dma_wait3A_188 : memref<1x96x64xf32, #tpu.memory_space<vmem>> -> memref<96x64xf32, #tpu.memory_space<vmem>>
      %dma_wait3A_190 = arith.constant 104 : i32
      %dma_wait3A_191 = tpu.memref_slice %arg5[%dma_wait3A_184, %dma_wait3A_190] : memref<128x200xi32, #tpu.memory_space<vmem>> -> memref<1x96xi32, #tpu.memory_space<vmem>>
      %dma_wait3A_192 = tpu.memref_squeeze %dma_wait3A_191 : memref<1x96xi32, #tpu.memory_space<vmem>> -> memref<96xi32, #tpu.memory_space<vmem>>
      %dma_wait3A_193 = arith.constant 0 : i32
      %dma_wait3A_194 = arith.constant 0 : i32
      %dma_wait3A_195 = tpu.memref_slice %arg3[%dma_wait3A_193, %dma_wait3A_194] : memref<100000x64xf32, #tpu.memory_space<hbm>> -> memref<100000x64xf32, #tpu.memory_space<hbm>>
      tpu.wait_indirect_dma semaphore(%arg9 : memref<!tpu.dma_semaphore, #tpu.memory_space<semaphore_mem>>) src(%dma_wait3A_195 : memref<100000x64xf32, #tpu.memory_space<hbm>>) dst(%dma_wait3A_189 : memref<96x64xf32, #tpu.memory_space<vmem>>)
      %broadcast_in_dim3A_196 = arith.constant 0.000000e+00 : f32
      %broadcast_in_dim3A_197 = vector.broadcast %broadcast_in_dim3A_196 : f32 to vector<16xf32>
      %broadcast_in_dim3A_198 = arith.constant 0.000000e+00 : f32
      %broadcast_in_dim3A_199 = vector.broadcast %broadcast_in_dim3A_198 : f32 to vector<16xf32>
      %broadcast_in_dim3A_200 = arith.constant 0.000000e+00 : f32
      %broadcast_in_dim3A_201 = vector.broadcast %broadcast_in_dim3A_200 : f32 to vector<16xf32>
      %broadcast_in_dim3A_202 = arith.constant 0.000000e+00 : f32
      %broadcast_in_dim3A_203 = vector.broadcast %broadcast_in_dim3A_202 : f32 to vector<16xf32>
      %scan3A_204 = arith.constant 0 : i32
      %scan3A_205 = arith.constant 50 : i32
      %scan3A_206 = arith.addi %scan3A_204, %scan3A_205 : i32
      %scan3A_207 = arith.constant 1 : i32
      %scan3A_208:4 = scf.for %scan3A_222 = %scan3A_204 to %scan3A_206 step %scan3A_207 iter_args(%scan3A_223 = %broadcast_in_dim3A_197, %scan3A_224 = %broadcast_in_dim3A_199, %scan3A_225 = %broadcast_in_dim3A_201, %scan3A_226 = %broadcast_in_dim3A_203) -> (vector<16xf32>, vector<16xf32>, vector<16xf32>, vector<16xf32>)  : i32 {
        %mul3A_227 = arith.constant 4 : i32
        %mul3A_228 = arith.muli %scan3A_222, %mul3A_227 : i32
        %add3A_229 = arith.constant 0 : i32
        %add3A_230 = arith.addi %mul3A_228, %add3A_229 : i32
        %get3A = arith.constant 1 : i32
        %get3A_231 = arith.index_cast %get3A : i32 to index
        %get3A_232 = arith.index_cast %add3A_230 : i32 to index
        %get3A_233 = arith.constant 0 : index
        %get3A_234 = tpu.vector_load %arg6[%get3A_231, %get3A_232, %get3A_233] {strides = array<i32>} : memref<2x200x64xf32, #tpu.memory_space<vmem>>, vector<16xf32>,
        %add3A_235 = arith.addf %scan3A_223, %get3A_234 : vector<16xf32>
        %add3A_236 = arith.constant 0 : i32
        %add3A_237 = arith.addi %mul3A_228, %add3A_236 : i32
        %get3A_238 = arith.constant 1 : i32
        %get3A_239 = arith.index_cast %get3A_238 : i32 to index
        %get3A_240 = arith.index_cast %add3A_237 : i32 to index
        %get3A_241 = arith.constant 16 : index
        %get3A_242 = tpu.vector_load %arg6[%get3A_239, %get3A_240, %get3A_241] {strides = array<i32>} : memref<2x200x64xf32, #tpu.memory_space<vmem>>, vector<16xf32>,
        %add3A_243 = arith.addf %scan3A_224, %get3A_242 : vector<16xf32>
        %add3A_244 = arith.constant 0 : i32
        %add3A_245 = arith.addi %mul3A_228, %add3A_244 : i32
        %get3A_246 = arith.constant 1 : i32
        %get3A_247 = arith.index_cast %get3A_246 : i32 to index
        %get3A_248 = arith.index_cast %add3A_245 : i32 to index
        %get3A_249 = arith.constant 32 : index
        %get3A_250 = tpu.vector_load %arg6[%get3A_247, %get3A_248, %get3A_249] {strides = array<i32>} : memref<2x200x64xf32, #tpu.memory_space<vmem>>, vector<16xf32>,
        %add3A_251 = arith.addf %scan3A_225, %get3A_250 : vector<16xf32>
        %add3A_252 = arith.constant 0 : i32
        %add3A_253 = arith.addi %mul3A_228, %add3A_252 : i32
        %get3A_254 = arith.constant 1 : i32
        %get3A_255 = arith.index_cast %get3A_254 : i32 to index
        %get3A_256 = arith.index_cast %add3A_253 : i32 to index
        %get3A_257 = arith.constant 48 : index
        %get3A_258 = tpu.vector_load %arg6[%get3A_255, %get3A_256, %get3A_257] {strides = array<i32>} : memref<2x200x64xf32, #tpu.memory_space<vmem>>, vector<16xf32>,
        %add3A_259 = arith.addf %scan3A_226, %get3A_258 : vector<16xf32>
        %add3A_260 = arith.constant 1 : i32
        %add3A_261 = arith.addi %mul3A_228, %add3A_260 : i32
        %get3A_262 = arith.constant 1 : i32
        %get3A_263 = arith.index_cast %get3A_262 : i32 to index
        %get3A_264 = arith.index_cast %add3A_261 : i32 to index
        %get3A_265 = arith.constant 0 : index
        %get3A_266 = tpu.vector_load %arg6[%get3A_263, %get3A_264, %get3A_265] {strides = array<i32>} : memref<2x200x64xf32, #tpu.memory_space<vmem>>, vector<16xf32>,
        %add3A_267 = arith.addf %add3A_235, %get3A_266 : vector<16xf32>
        %add3A_268 = arith.constant 1 : i32
        %add3A_269 = arith.addi %mul3A_228, %add3A_268 : i32
        %get3A_270 = arith.constant 1 : i32
        %get3A_271 = arith.index_cast %get3A_270 : i32 to index
        %get3A_272 = arith.index_cast %add3A_269 : i32 to index
        %get3A_273 = arith.constant 16 : index
        %get3A_274 = tpu.vector_load %arg6[%get3A_271, %get3A_272, %get3A_273] {strides = array<i32>} : memref<2x200x64xf32, #tpu.memory_space<vmem>>, vector<16xf32>,
        %add3A_275 = arith.addf %add3A_243, %get3A_274 : vector<16xf32>
        %add3A_276 = arith.constant 1 : i32
        %add3A_277 = arith.addi %mul3A_228, %add3A_276 : i32
        %get3A_278 = arith.constant 1 : i32
        %get3A_279 = arith.index_cast %get3A_278 : i32 to index
        %get3A_280 = arith.index_cast %add3A_277 : i32 to index
        %get3A_281 = arith.constant 32 : index
        %get3A_282 = tpu.vector_load %arg6[%get3A_279, %get3A_280, %get3A_281] {strides = array<i32>} : memref<2x200x64xf32, #tpu.memory_space<vmem>>, vector<16xf32>,
        %add3A_283 = arith.addf %add3A_251, %get3A_282 : vector<16xf32>
        %add3A_284 = arith.constant 1 : i32
        %add3A_285 = arith.addi %mul3A_228, %add3A_284 : i32
        %get3A_286 = arith.constant 1 : i32
        %get3A_287 = arith.index_cast %get3A_286 : i32 to index
        %get3A_288 = arith.index_cast %add3A_285 : i32 to index
        %get3A_289 = arith.constant 48 : index
        %get3A_290 = tpu.vector_load %arg6[%get3A_287, %get3A_288, %get3A_289] {strides = array<i32>} : memref<2x200x64xf32, #tpu.memory_space<vmem>>, vector<16xf32>,
        %add3A_291 = arith.addf %add3A_259, %get3A_290 : vector<16xf32>
        %add3A_292 = arith.constant 2 : i32
        %add3A_293 = arith.addi %mul3A_228, %add3A_292 : i32
        %get3A_294 = arith.constant 1 : i32
        %get3A_295 = arith.index_cast %get3A_294 : i32 to index
        %get3A_296 = arith.index_cast %add3A_293 : i32 to index
        %get3A_297 = arith.constant 0 : index
        %get3A_298 = tpu.vector_load %arg6[%get3A_295, %get3A_296, %get3A_297] {strides = array<i32>} : memref<2x200x64xf32, #tpu.memory_space<vmem>>, vector<16xf32>,
        %add3A_299 = arith.addf %add3A_267, %get3A_298 : vector<16xf32>
        %add3A_300 = arith.constant 2 : i32
        %add3A_301 = arith.addi %mul3A_228, %add3A_300 : i32
        %get3A_302 = arith.constant 1 : i32
        %get3A_303 = arith.index_cast %get3A_302 : i32 to index
        %get3A_304 = arith.index_cast %add3A_301 : i32 to index
        %get3A_305 = arith.constant 16 : index
        %get3A_306 = tpu.vector_load %arg6[%get3A_303, %get3A_304, %get3A_305] {strides = array<i32>} : memref<2x200x64xf32, #tpu.memory_space<vmem>>, vector<16xf32>,
        %add3A_307 = arith.addf %add3A_275, %get3A_306 : vector<16xf32>
        %add3A_308 = arith.constant 2 : i32
        %add3A_309 = arith.addi %mul3A_228, %add3A_308 : i32
        %get3A_310 = arith.constant 1 : i32
        %get3A_311 = arith.index_cast %get3A_310 : i32 to index
        %get3A_312 = arith.index_cast %add3A_309 : i32 to index
        %get3A_313 = arith.constant 32 : index
        %get3A_314 = tpu.vector_load %arg6[%get3A_311, %get3A_312, %get3A_313] {strides = array<i32>} : memref<2x200x64xf32, #tpu.memory_space<vmem>>, vector<16xf32>,
        %add3A_315 = arith.addf %add3A_283, %get3A_314 : vector<16xf32>
        %add3A_316 = arith.constant 2 : i32
        %add3A_317 = arith.addi %mul3A_228, %add3A_316 : i32
        %get3A_318 = arith.constant 1 : i32
        %get3A_319 = arith.index_cast %get3A_318 : i32 to index
        %get3A_320 = arith.index_cast %add3A_317 : i32 to index
        %get3A_321 = arith.constant 48 : index
        %get3A_322 = tpu.vector_load %arg6[%get3A_319, %get3A_320, %get3A_321] {strides = array<i32>} : memref<2x200x64xf32, #tpu.memory_space<vmem>>, vector<16xf32>,
        %add3A_323 = arith.addf %add3A_291, %get3A_322 : vector<16xf32>
        %add3A_324 = arith.constant 3 : i32
        %add3A_325 = arith.addi %mul3A_228, %add3A_324 : i32
        %get3A_326 = arith.constant 1 : i32
        %get3A_327 = arith.index_cast %get3A_326 : i32 to index
        %get3A_328 = arith.index_cast %add3A_325 : i32 to index
        %get3A_329 = arith.constant 0 : index
        %get3A_330 = tpu.vector_load %arg6[%get3A_327, %get3A_328, %get3A_329] {strides = array<i32>} : memref<2x200x64xf32, #tpu.memory_space<vmem>>, vector<16xf32>,
        %add3A_331 = arith.addf %add3A_299, %get3A_330 : vector<16xf32>
        %add3A_332 = arith.constant 3 : i32
        %add3A_333 = arith.addi %mul3A_228, %add3A_332 : i32
        %get3A_334 = arith.constant 1 : i32
        %get3A_335 = arith.index_cast %get3A_334 : i32 to index
        %get3A_336 = arith.index_cast %add3A_333 : i32 to index
        %get3A_337 = arith.constant 16 : index
        %get3A_338 = tpu.vector_load %arg6[%get3A_335, %get3A_336, %get3A_337] {strides = array<i32>} : memref<2x200x64xf32, #tpu.memory_space<vmem>>, vector<16xf32>,
        %add3A_339 = arith.addf %add3A_307, %get3A_338 : vector<16xf32>
        %add3A_340 = arith.constant 3 : i32
        %add3A_341 = arith.addi %mul3A_228, %add3A_340 : i32
        %get3A_342 = arith.constant 1 : i32
        %get3A_343 = arith.index_cast %get3A_342 : i32 to index
        %get3A_344 = arith.index_cast %add3A_341 : i32 to index
        %get3A_345 = arith.constant 32 : index
        %get3A_346 = tpu.vector_load %arg6[%get3A_343, %get3A_344, %get3A_345] {strides = array<i32>} : memref<2x200x64xf32, #tpu.memory_space<vmem>>, vector<16xf32>,
        %add3A_347 = arith.addf %add3A_315, %get3A_346 : vector<16xf32>
        %add3A_348 = arith.constant 3 : i32
        %add3A_349 = arith.addi %mul3A_228, %add3A_348 : i32
        %get3A_350 = arith.constant 1 : i32
        %get3A_351 = arith.index_cast %get3A_350 : i32 to index
        %get3A_352 = arith.index_cast %add3A_349 : i32 to index
        %get3A_353 = arith.constant 48 : index
        %get3A_354 = tpu.vector_load %arg6[%get3A_351, %get3A_352, %get3A_353] {strides = array<i32>} : memref<2x200x64xf32, #tpu.memory_space<vmem>>, vector<16xf32>,
        %add3A_355 = arith.addf %add3A_323, %get3A_354 : vector<16xf32>
        scf.yield %add3A_331, %add3A_339, %add3A_347, %add3A_355 : vector<16xf32>, vector<16xf32>, vector<16xf32>, vector<16xf32>
      }
      %scan3A_209 = arith.constant 50 : i32
      %swap3A_210 = arith.index_cast %scan3A_70 : i32 to index
      %swap3A_211 = arith.constant 64 : index
      %swap3A_212 = tpu.vector_load %arg7[%swap3A_210, %swap3A_211] {strides = array<i32>} : memref<64x128xf32, #tpu.memory_space<vmem>>, vector<16xf32>,
      tpu.vector_store %arg7[%swap3A_210, %swap3A_211], %scan3A_208#0 {strides = array<i32>} : memref<64x128xf32, #tpu.memory_space<vmem>>, vector<16xf32>,
      %swap3A_213 = arith.index_cast %scan3A_70 : i32 to index
      %swap3A_214 = arith.constant 80 : index
      %swap3A_215 = tpu.vector_load %arg7[%swap3A_213, %swap3A_214] {strides = array<i32>} : memref<64x128xf32, #tpu.memory_space<vmem>>, vector<16xf32>,
      tpu.vector_store %arg7[%swap3A_213, %swap3A_214], %scan3A_208#1 {strides = array<i32>} : memref<64x128xf32, #tpu.memory_space<vmem>>, vector<16xf32>,
      %swap3A_216 = arith.index_cast %scan3A_70 : i32 to index
      %swap3A_217 = arith.constant 96 : index
      %swap3A_218 = tpu.vector_load %arg7[%swap3A_216, %swap3A_217] {strides = array<i32>} : memref<64x128xf32, #tpu.memory_space<vmem>>, vector<16xf32>,
      tpu.vector_store %arg7[%swap3A_216, %swap3A_217], %scan3A_208#2 {strides = array<i32>} : memref<64x128xf32, #tpu.memory_space<vmem>>, vector<16xf32>,
      %swap3A_219 = arith.index_cast %scan3A_70 : i32 to index
      %swap3A_220 = arith.constant 112 : index
      %swap3A_221 = tpu.vector_load %arg7[%swap3A_219, %swap3A_220] {strides = array<i32>} : memref<64x128xf32, #tpu.memory_space<vmem>>, vector<16xf32>,
      tpu.vector_store %arg7[%swap3A_219, %swap3A_220], %scan3A_208#3 {strides = array<i32>} : memref<64x128xf32, #tpu.memory_space<vmem>>, vector<16xf32>,
    }
    %scan3A_30 = arith.constant 64 : i32
    %dma_wait3A = arith.constant 0 : i32
    %dma_wait3A_31 = arith.constant 0 : i32
    %dma_wait3A_32 = arith.constant 0 : i32
    %dma_wait3A_33 = arith.constant 0 : i32
    %dma_wait3A_34 = tpu.memref_slice %arg6[%dma_wait3A_31, %dma_wait3A_32, %dma_wait3A_33] : memref<2x200x64xf32, #tpu.memory_space<vmem>> -> memref<1x104x64xf32, #tpu.memory_space<vmem>>
    %dma_wait3A_35 = tpu.memref_squeeze %dma_wait3A_34 : memref<1x104x64xf32, #tpu.memory_space<vmem>> -> memref<104x64xf32, #tpu.memory_space<vmem>>
    %dma_wait3A_36 = arith.constant 0 : i32
    %dma_wait3A_37 = tpu.memref_slice %arg5[%dma_wait3A, %dma_wait3A_36] : memref<128x200xi32, #tpu.memory_space<vmem>> -> memref<1x104xi32, #tpu.memory_space<vmem>>
    %dma_wait3A_38 = tpu.memref_squeeze %dma_wait3A_37 : memref<1x104xi32, #tpu.memory_space<vmem>> -> memref<104xi32, #tpu.memory_space<vmem>>
    %dma_wait3A_39 = arith.constant 0 : i32
    %dma_wait3A_40 = arith.constant 0 : i32
    %dma_wait3A_41 = tpu.memref_slice %arg3[%dma_wait3A_39, %dma_wait3A_40] : memref<100000x64xf32, #tpu.memory_space<hbm>> -> memref<100000x64xf32, #tpu.memory_space<hbm>>
    tpu.wait_indirect_dma semaphore(%arg8 : memref<!tpu.dma_semaphore, #tpu.memory_space<semaphore_mem>>) src(%dma_wait3A_41 : memref<100000x64xf32, #tpu.memory_space<hbm>>) dst(%dma_wait3A_35 : memref<104x64xf32, #tpu.memory_space<vmem>>)
    %dma_wait3A_42 = arith.constant 0 : i32
    %dma_wait3A_43 = arith.constant 0 : i32
    %dma_wait3A_44 = arith.constant 104 : i32
    %dma_wait3A_45 = arith.constant 0 : i32
    %dma_wait3A_46 = tpu.memref_slice %arg6[%dma_wait3A_43, %dma_wait3A_44, %dma_wait3A_45] : memref<2x200x64xf32, #tpu.memory_space<vmem>> -> memref<1x96x64xf32, #tpu.memory_space<vmem>>
    %dma_wait3A_47 = tpu.memref_squeeze %dma_wait3A_46 : memref<1x96x64xf32, #tpu.memory_space<vmem>> -> memref<96x64xf32, #tpu.memory_space<vmem>>
    %dma_wait3A_48 = arith.constant 104 : i32
    %dma_wait3A_49 = tpu.memref_slice %arg5[%dma_wait3A_42, %dma_wait3A_48] : memref<128x200xi32, #tpu.memory_space<vmem>> -> memref<1x96xi32, #tpu.memory_space<vmem>>
    %dma_wait3A_50 = tpu.memref_squeeze %dma_wait3A_49 : memref<1x96xi32, #tpu.memory_space<vmem>> -> memref<96xi32, #tpu.memory_space<vmem>>
    %dma_wait3A_51 = arith.constant 0 : i32
    %dma_wait3A_52 = arith.constant 0 : i32
    %dma_wait3A_53 = tpu.memref_slice %arg3[%dma_wait3A_51, %dma_wait3A_52] : memref<100000x64xf32, #tpu.memory_space<hbm>> -> memref<100000x64xf32, #tpu.memory_space<hbm>>
    tpu.wait_indirect_dma semaphore(%arg8 : memref<!tpu.dma_semaphore, #tpu.memory_space<semaphore_mem>>) src(%dma_wait3A_53 : memref<100000x64xf32, #tpu.memory_space<hbm>>) dst(%dma_wait3A_47 : memref<96x64xf32, #tpu.memory_space<vmem>>)
    %jit3A = arith.constant 2 : i32
    %div3A = arith.divsi %mul3A_2, %jit3A : i32
    %sign3A = arith.constant 0 : i32
    %sign3A_54 = arith.cmpi sgt, %mul3A_2, %sign3A : i32
    %sign3A_55 = arith.extui %sign3A_54 : i1 to i32
    %sign3A_56 = arith.constant 0 : i32
    %sign3A_57 = arith.cmpi slt, %mul3A_2, %sign3A_56 : i32
    %sign3A_58 = arith.extui %sign3A_57 : i1 to i32
    %sign3A_59 = arith.subi %sign3A_55, %sign3A_58 : i32
    %sign3A_60 = arith.constant 0 : i32
    %sign3A_61 = arith.cmpi sgt, %jit3A, %sign3A_60 : i32
    %sign3A_62 = arith.extui %sign3A_61 : i1 to i32
    %sign3A_63 = arith.constant 0 : i32
    %sign3A_64 = arith.cmpi slt, %jit3A, %sign3A_63 : i32
    %sign3A_65 = arith.extui %sign3A_64 : i1 to i32
    %sign3A_66 = arith.subi %sign3A_62, %sign3A_65 : i32
    %ne3A = arith.cmpi ne, %sign3A_59, %sign3A_66 : i32
    %rem3A = arith.remsi %mul3A_2, %jit3A : i32
    %ne3A_67 = arith.constant 0 : i32
    %ne3A_68 = arith.cmpi ne, %rem3A, %ne3A_67 : i32
    %and3A = arith.andi %ne3A, %ne3A_68 : i1
    %sub3A = arith.constant 1 : i32
    %sub3A_69 = arith.subi %div3A, %sub3A : i32
    %select_n3A = arith.select %and3A, %sub3A_69, %div3A : i32
    "tpu.region"() ({
      %run_scoped3A = tpu.sem_alloc : memref<!tpu.dma_semaphore, #tpu.memory_space<semaphore_mem>>
      %dma_start3A_70 = arith.constant 0 : i32
      %dma_start3A_71 = tpu.memref_slice %arg4[%select_n3A, %dma_start3A_70] : memref<2048x128xf32, #tpu.memory_space<hbm>> -> memref<64x128xf32, #tpu.memory_space<hbm>>
      %dma_start3A_72 = arith.constant 0 : i32
      %dma_start3A_73 = tpu.memref_slice %arg4[%select_n3A, %dma_start3A_72] : memref<2048x128xf32, #tpu.memory_space<hbm>> -> memref<64x128xf32, #tpu.memory_space<hbm>>
      tpu.enqueue_dma source(%arg7 : memref<64x128xf32, #tpu.memory_space<vmem>>) target(%dma_start3A_73 : memref<64x128xf32, #tpu.memory_space<hbm>>) target_semaphore(%run_scoped3A : memref<!tpu.dma_semaphore, #tpu.memory_space<semaphore_mem>>)
      %dma_wait3A_74 = arith.constant 0 : i32
      %dma_wait3A_75 = tpu.memref_slice %arg4[%select_n3A, %dma_wait3A_74] : memref<2048x128xf32, #tpu.memory_space<hbm>> -> memref<64x128xf32, #tpu.memory_space<hbm>>
      %dma_wait3A_76 = arith.constant 0 : i32
      %dma_wait3A_77 = tpu.memref_slice %arg4[%select_n3A, %dma_wait3A_76] : memref<2048x128xf32, #tpu.memory_space<hbm>> -> memref<64x128xf32, #tpu.memory_space<hbm>>
      tpu.wait_dma2 semaphore(%run_scoped3A : memref<!tpu.dma_semaphore, #tpu.memory_space<semaphore_mem>>) src(%arg7 : memref<64x128xf32, #tpu.memory_space<vmem>>) dst(%dma_wait3A_77 : memref<64x128xf32, #tpu.memory_space<hbm>>)
      tpu.yield
    }) : () -> ()
    return
  }
}

module attributes {stable_mosaic.version = 14 : i64} {
  func.func @_mlp_body(%arg0: i32, %arg1: memref<1024x128xf32, #tpu.memory_space<vmem>>, %arg2: memref<2048x200xi32, #tpu.memory_space<vmem>>, %arg3: memref<64x256xf32, #tpu.memory_space<vmem>>, %arg4: memref<1x256xf32, #tpu.memory_space<vmem>>, %arg5: memref<256x128xf32, #tpu.memory_space<vmem>>, %arg6: memref<1x128xf32, #tpu.memory_space<vmem>>, %arg7: memref<2048x128xf32, #tpu.memory_space<vmem>>) attributes {dimension_semantics = [#tpu.dimension_semantics<arbitrary>], iteration_bounds = array<i64: 2>, scalar_prefetch = 0 : i64, scratch_operands = 0 : i64, tpu.core_type = #tpu.core_type<tc>, window_params = [{transform_indices = @transform_0, window_bounds = array<i64: 1024, 128>}, {transform_indices = @transform_1, window_bounds = array<i64: 2048, 200>}, {pipeline_mode = #tpu.pipeline_mode<synchronous>, transform_indices = @transform_2, window_bounds = array<i64: 64, 256>}, {pipeline_mode = #tpu.pipeline_mode<synchronous>, transform_indices = @transform_3, window_bounds = array<i64: 1, 256>}, {pipeline_mode = #tpu.pipeline_mode<synchronous>, transform_indices = @transform_4, window_bounds = array<i64: 256, 128>}, {pipeline_mode = #tpu.pipeline_mode<synchronous>, transform_indices = @transform_5, window_bounds = array<i64: 1, 128>}, {transform_indices = @transform_6, window_bounds = array<i64: 2048, 128>}]} {
    %get3A = arith.constant 0 : index
    %get3A_0 = arith.constant 0 : index
    %get3A_1 = vector.load %arg2[%get3A, %get3A_0] : memref<2048x200xi32, #tpu.memory_space<vmem>>, vector<2048x200xi32>
    %ne3A = arith.constant 0 : i32
    %ne3A_2 = vector.broadcast %ne3A : i32 to vector<2048x200xi32>
    %ne3A_3 = arith.cmpi ne, %get3A_1, %ne3A_2 : vector<2048x200xi32>
    %convert_element_type3A = arith.extui %ne3A_3 : vector<2048x200xi1> to vector<2048x200xi32>
    %convert_element_type3A_4 = arith.sitofp %convert_element_type3A : vector<2048x200xi32> to vector<2048x200xf32>
    %reduce_sum3A = arith.constant dense<0.000000e+00> : vector<2048xf32>
    %reduce_sum3A_5 = vector.multi_reduction <add>, %convert_element_type3A_4, %reduce_sum3A [1] : vector<2048x200xf32> to vector<2048xf32>
    %broadcast_in_dim3A = vector.shape_cast %reduce_sum3A_5 : vector<2048xf32> to vector<2048x1xf32>
    %max3A = arith.constant 1.000000e+00 : f32
    %max3A_6 = vector.broadcast %max3A : f32 to vector<2048x1xf32>
    %max3A_7 = arith.maximumf %broadcast_in_dim3A, %max3A_6 : vector<2048x1xf32>
    %reshape3A = vector.shape_cast %max3A_7 : vector<2048x1xf32> to vector<1024x2x1xf32>
    %get3A_8 = arith.constant 0 : index
    %get3A_9 = arith.constant 0 : index
    %get3A_10 = vector.load %arg1[%get3A_8, %get3A_9] : memref<1024x128xf32, #tpu.memory_space<vmem>>, vector<1024x128xf32>
    %slice3A = vector.extract_strided_slice %get3A_10 {offsets = [0, 0], sizes = [1024, 64], strides = [1, 1]} : vector<1024x128xf32> to vector<1024x64xf32>
    %slice3A_11 = vector.extract_strided_slice %reshape3A {offsets = [0, 0, 0], sizes = [1024, 1, 1], strides = [1, 1, 1]} : vector<1024x2x1xf32> to vector<1024x1x1xf32>
    %squeeze3A = vector.shape_cast %slice3A_11 : vector<1024x1x1xf32> to vector<1024x1xf32>
    %div3A = vector.broadcast %squeeze3A : vector<1024x1xf32> to vector<1024x64xf32>
    %div3A_12 = arith.divf %slice3A, %div3A : vector<1024x64xf32>
    %get3A_13 = arith.constant 0 : index
    %get3A_14 = arith.constant 0 : index
    %get3A_15 = vector.load %arg3[%get3A_13, %get3A_14] : memref<64x256xf32, #tpu.memory_space<vmem>>, vector<64x256xf32>
    %dot_general3A = arith.constant dense<0.000000e+00> : vector<1024x256xf32>
    %dot_general3A_16 = tpu.matmul %div3A_12, %get3A_15, %dot_general3A {dimension_numbers = #tpu.dot_dimension_numbers<[1], [0], [0], [1], [0, 0, 1, 1], [], []>, transpose_lhs_hint = false} : vector<1024x64xf32>, vector<64x256xf32>, vector<1024x256xf32> -> vector<1024x256xf32>
    %get3A_17 = arith.constant 0 : index
    %get3A_18 = arith.constant 0 : index
    %get3A_19 = vector.load %arg4[%get3A_17, %get3A_18] : memref<1x256xf32, #tpu.memory_space<vmem>>, vector<1x256xf32>
    %add3A = vector.broadcast %get3A_19 : vector<1x256xf32> to vector<1024x256xf32>
    %add3A_20 = arith.addf %dot_general3A_16, %add3A : vector<1024x256xf32>
    %max3A_21 = arith.constant 0.000000e+00 : f32
    %max3A_22 = vector.broadcast %max3A_21 : f32 to vector<1024x256xf32>
    %max3A_23 = arith.maximumf %add3A_20, %max3A_22 : vector<1024x256xf32>
    %get3A_24 = arith.constant 0 : index
    %get3A_25 = arith.constant 0 : index
    %get3A_26 = vector.load %arg5[%get3A_24, %get3A_25] : memref<256x128xf32, #tpu.memory_space<vmem>>, vector<256x128xf32>
    %dot_general3A_27 = arith.constant dense<0.000000e+00> : vector<1024x128xf32>
    %dot_general3A_28 = tpu.matmul %max3A_23, %get3A_26, %dot_general3A_27 {dimension_numbers = #tpu.dot_dimension_numbers<[1], [0], [0], [1], [0, 0, 1, 1], [], []>, transpose_lhs_hint = false} : vector<1024x256xf32>, vector<256x128xf32>, vector<1024x128xf32> -> vector<1024x128xf32>
    %get3A_29 = arith.constant 0 : index
    %get3A_30 = arith.constant 0 : index
    %get3A_31 = vector.load %arg6[%get3A_29, %get3A_30] : memref<1x128xf32, #tpu.memory_space<vmem>>, vector<1x128xf32>
    %add3A_32 = vector.broadcast %get3A_31 : vector<1x128xf32> to vector<1024x128xf32>
    %add3A_33 = arith.addf %dot_general3A_28, %add3A_32 : vector<1024x128xf32>
    %slice3A_34 = vector.extract_strided_slice %get3A_10 {offsets = [0, 64], sizes = [1024, 64], strides = [1, 1]} : vector<1024x128xf32> to vector<1024x64xf32>
    %slice3A_35 = vector.extract_strided_slice %reshape3A {offsets = [0, 1, 0], sizes = [1024, 1, 1], strides = [1, 1, 1]} : vector<1024x2x1xf32> to vector<1024x1x1xf32>
    %squeeze3A_36 = vector.shape_cast %slice3A_35 : vector<1024x1x1xf32> to vector<1024x1xf32>
    %div3A_37 = vector.broadcast %squeeze3A_36 : vector<1024x1xf32> to vector<1024x64xf32>
    %div3A_38 = arith.divf %slice3A_34, %div3A_37 : vector<1024x64xf32>
    %get3A_39 = arith.constant 0 : index
    %get3A_40 = arith.constant 0 : index
    %get3A_41 = vector.load %arg3[%get3A_39, %get3A_40] : memref<64x256xf32, #tpu.memory_space<vmem>>, vector<64x256xf32>
    %dot_general3A_42 = arith.constant dense<0.000000e+00> : vector<1024x256xf32>
    %dot_general3A_43 = tpu.matmul %div3A_38, %get3A_41, %dot_general3A_42 {dimension_numbers = #tpu.dot_dimension_numbers<[1], [0], [0], [1], [0, 0, 1, 1], [], []>, transpose_lhs_hint = false} : vector<1024x64xf32>, vector<64x256xf32>, vector<1024x256xf32> -> vector<1024x256xf32>
    %get3A_44 = arith.constant 0 : index
    %get3A_45 = arith.constant 0 : index
    %get3A_46 = vector.load %arg4[%get3A_44, %get3A_45] : memref<1x256xf32, #tpu.memory_space<vmem>>, vector<1x256xf32>
    %add3A_47 = vector.broadcast %get3A_46 : vector<1x256xf32> to vector<1024x256xf32>
    %add3A_48 = arith.addf %dot_general3A_43, %add3A_47 : vector<1024x256xf32>
    %max3A_49 = arith.constant 0.000000e+00 : f32
    %max3A_50 = vector.broadcast %max3A_49 : f32 to vector<1024x256xf32>
    %max3A_51 = arith.maximumf %add3A_48, %max3A_50 : vector<1024x256xf32>
    %get3A_52 = arith.constant 0 : index
    %get3A_53 = arith.constant 0 : index
    %get3A_54 = vector.load %arg5[%get3A_52, %get3A_53] : memref<256x128xf32, #tpu.memory_space<vmem>>, vector<256x128xf32>
    %dot_general3A_55 = arith.constant dense<0.000000e+00> : vector<1024x128xf32>
    %dot_general3A_56 = tpu.matmul %max3A_51, %get3A_54, %dot_general3A_55 {dimension_numbers = #tpu.dot_dimension_numbers<[1], [0], [0], [1], [0, 0, 1, 1], [], []>, transpose_lhs_hint = false} : vector<1024x256xf32>, vector<256x128xf32>, vector<1024x128xf32> -> vector<1024x128xf32>
    %get3A_57 = arith.constant 0 : index
    %get3A_58 = arith.constant 0 : index
    %get3A_59 = vector.load %arg6[%get3A_57, %get3A_58] : memref<1x128xf32, #tpu.memory_space<vmem>>, vector<1x128xf32>
    %add3A_60 = vector.broadcast %get3A_59 : vector<1x128xf32> to vector<1024x128xf32>
    %add3A_61 = arith.addf %dot_general3A_56, %add3A_60 : vector<1024x128xf32>
    %stack3A = vector.shape_cast %add3A_33 : vector<1024x128xf32> to vector<1024x1x128xf32>
    %stack3A_62 = vector.shape_cast %add3A_61 : vector<1024x128xf32> to vector<1024x1x128xf32>
    %stack3A_63 = tpu.concatenate %stack3A, %stack3A_62 in 1 : vector<1024x1x128xf32>, vector<1024x1x128xf32> -> vector<1024x2x128xf32>
    %reshape3A_64 = vector.shape_cast %stack3A_63 : vector<1024x2x128xf32> to vector<2048x128xf32>
    %swap3A = arith.constant 0 : index
    %swap3A_65 = arith.constant 0 : index
    %swap3A_66 = vector.load %arg7[%swap3A, %swap3A_65] : memref<2048x128xf32, #tpu.memory_space<vmem>>, vector<2048x128xf32>
    tpu.vector_store %arg7[%swap3A, %swap3A_65], %reshape3A_64 {strides = array<i32>} : memref<2048x128xf32, #tpu.memory_space<vmem>>, vector<2048x128xf32>,
    return
  }
  func.func @transform_0(%arg0: i32) -> (i32, i32) {
    %c0_i32 = arith.constant 0 : i32
    %c0_i32_0 = arith.constant 0 : i32
    return %arg0, %c0_i32 : i32, i32
  }
  func.func @transform_1(%arg0: i32) -> (i32, i32) {
    %c0_i32 = arith.constant 0 : i32
    %c0_i32_0 = arith.constant 0 : i32
    return %arg0, %c0_i32 : i32, i32
  }
  func.func @transform_2(%arg0: i32) -> (i32, i32) {
    %c0_i32 = arith.constant 0 : i32
    %c0_i32_0 = arith.constant 0 : i32
    %c0_i32_1 = arith.constant 0 : i32
    return %c0_i32, %c0_i32_0 : i32, i32
  }
  func.func @transform_3(%arg0: i32) -> (i32, i32) {
    %c0_i32 = arith.constant 0 : i32
    %c0_i32_0 = arith.constant 0 : i32
    %c0_i32_1 = arith.constant 0 : i32
    return %c0_i32, %c0_i32_0 : i32, i32
  }
  func.func @transform_4(%arg0: i32) -> (i32, i32) {
    %c0_i32 = arith.constant 0 : i32
    %c0_i32_0 = arith.constant 0 : i32
    %c0_i32_1 = arith.constant 0 : i32
    return %c0_i32, %c0_i32_0 : i32, i32
  }
  func.func @transform_5(%arg0: i32) -> (i32, i32) {
    %c0_i32 = arith.constant 0 : i32
    %c0_i32_0 = arith.constant 0 : i32
    %c0_i32_1 = arith.constant 0 : i32
    return %c0_i32, %c0_i32_0 : i32, i32
  }
  func.func @transform_6(%arg0: i32) -> (i32, i32) {
    %c0_i32 = arith.constant 0 : i32
    %c0_i32_0 = arith.constant 0 : i32
    return %arg0, %c0_i32 : i32, i32
  }
}

</mosaic_0001>

<sc_bundles>
// kernel: kernel.4.cloned.1.call-start
scs
__scs_entry_jumppad:
0x0: {  	(pc) =	sbr.rel $0x88, $3  }
0x1: {  	(tag) =	ssettag $0x0;
	lr =	simm.s32 $0x1  }
0x2: {  	[smem:$0x3F9B] =	sst lr;
	_ =	strace $0xD0000000  }
0x3: {  	_ = 	snop  }
0x4: {  	_ = 	snop  }
0x5: {  	_ = 	snop  }
0x6: {  	_ = 	snop  }
0x7: {  	_ = 	snop  }
__scs_overlays_trampoline_lowered:
0x8: {  	[smem:$0x3FAA] =	sst s0  }
0x9: {  	[smem:$0x3FAB] =	sst s1  }
0xa: {  	[smem:$0x3FAC] =	sst s2  }
0xb: {  	[smem:$0x3FAD] =	sst s3  }
0xc: {  	[smem:$0x3FAE] =	sst s4  }
0xd: {  	[smem:$0x3FAF] =	sst s5  }
0xe: {  	[smem:$0x3FB0] =	sst s6  }
0xf: {  	[smem:$0x3FB1] =	sst s7  }
0x10: {  	[smem:$0x3FB2] =	sst s8  }
0x11: {  	[smem:$0x3FB3] =	sst s9;
	s0 =	simm.s32 @!p0 $0x0  }
0x12: {  	s1 =	sld [smem:$0x3F99];
	s0 =	simm.s32 @p0 $0x1  }
0x13: {  	[smem:$0x3FB4] =	sst s0;
	s0 =	simm.s32 @!p1 $0x0  }
0x14: {  	s2 =	sld [smem:$0x3F98];
	s0 =	simm.s32 @p1 $0x1  }
0x15: {  	[smem:$0x3FB5] =	sst s0;
	s0 =	simm.s32 @!p2 $0x0  }
0x16: {  	s3 =	sld [smem:$0x3FDB];
	s0 =	simm.s32 @p2 $0x1  }
0x17: {  	s4 =	simm.s32 $0x1BF5;
	[smem:$0x3FB7] =	sst s0  }
0x18: {  	s0 =	sld [smem:$0x3F9A];
	_ =	swait.ge [sflag:s4], $0x0  }
0x19: {  	s7 =	sld [smem:$0x3F9B]  }
0x1a: {  	s8 =	sadd.s32 $0xFFFFE003, lr  }
0x1b: {  	s9 =	sadd.s32 $0xFFFFFEF7, lr;
	s5 =	simm.s32 $0xFFFFFFFF;
	p2 =	slt.u32 s8, $0xFFFFF086  }
0x1c: {  	p1 =	slt.u32 s9, $0xF7A;
	s5 =	simm.s32 @!p2 $0x0  }
0x1d: {  	s5 =	simm.s32 @p1 $0x1;
	p0 =	seq.s32 s7, s2  }
0x1e: {  	s7 =	smul.u32 @!p0 $0xF7A, s2;
	p2 =	seq.s32 @!p0 s5, $0x0  }
0x1f: {  	s9 =	smul.u32 $0xF7A, s1;
	s8 =	simm.s32 @!p0 $0x1BF5;
	p2 =	por !p2, p0  }
0x20: {  	[sflag:s8] =	ssyncset.s32 @!p0 $0xFFFFF086;
	s6 =	sadd.s32 @!p0 s3, s7;
	s7 =	simm.s32 @!p0 $0x108  }
0x21: {  	s3 =	sadd.s32 s3, s9;
	s6 =	sadd.s32 @!p0 $0x88, s6;
	s7 =	simm.s32 @p2 $0x1082  }
0x22: {  	[simem:s7], [sflag:s8] =	dma.local @!p0 [hbm:s6], $0xF7A  }
0x23: {  	s9 =	sor.u32 $0xD0000000, s2;
	s6 =	simm.s32 $0x108;
	_ =	swait.ge @!p0 [sflag:s8], $0x0  }
0x24: {  	s3 =	sadd.s32 $0x88, s3;
	s6 =	simm.s32 @!p1 $0x1082;
	[sflag:s4] =	ssyncset.s32 $0xFFFFF086  }
0x25: {  	[simem:s6], [sflag:s4] =	dma.local [hbm:s3], $0xF7A  }
0x26: {  	[smem:$0x3F9B] =	sst s1;
	(tag) =	ssettag s2;
	_ =	strace s9  }
0x27: {  	s1 =	sld [smem:$0x3FAB]  }
0x28: {  	s2 =	sld [smem:$0x3FAC]  }
0x29: {  	s4 =	sld [smem:$0x3FAE]  }
0x2a: {  	p0 =	seq.s32 s5, $0x0;
	s5 =	sld [smem:$0x3FAF]  }
0x2b: {  	s6 =	sld [smem:$0x3FB0]  }
0x2c: {  	s7 =	sld [smem:$0x3FB1]  }
0x2d: {  	s3 =	simm.s32 $0x108;
	s8 =	sld [smem:$0x3FB2]  }
0x2e: {  	s3 =	simm.s32 @!p0 $0x1082;
	s9 =	sld [smem:$0x3FB3]  }
0x2f: {  	lr =	sadd.s32 s0, s3;
	s0 =	sld [smem:$0x3FAA]  }
0x30: {  	s3 =	sld [smem:$0x3FAD]  }
0x31: {  	[smem:$0x3FB6] =	sst s10  }
0x32: {  	s10 =	sld [smem:$0x3FB4];
	_ =	sdelay $0x3  }
0x33: {  	p0 =	seq.s32 s10, $0x1;
	s10 =	sld [smem:$0x3FB6];
	_ =	sdelay $0x3  }
0x34: {  	[smem:$0x3FB6] =	sst s10  }
0x35: {  	s10 =	sld [smem:$0x3FB5];
	_ =	sdelay $0x3  }
0x36: {  	p1 =	seq.s32 s10, $0x1;
	s10 =	sld [smem:$0x3FB6];
	_ =	sdelay $0x3  }
0x37: {  	[smem:$0x3FB6] =	sst s10  }
0x38: {  	s10 =	sld [smem:$0x3FB7]  }
0x39: {  	_ = 	snop;
	(pc) =	sbr.ind lr, $3  }
0x3a: {  	_ = 	snop  }
0x3b: {  	_ = 	snop  }
0x3c: {  	p2 =	seq.s32 s10, $0x1;
	s10 =	sld [smem:$0x3FB6]  }
0x3d: {  	_ =	shalt  }
0x3e: {  	_ =	shalt  }
0x3f: {  	_ =	shalt  }
0x40: {  	_ =	shalt  }
0x41: {  	_ =	shalt  }
0x42: {  	_ =	shalt  }
0x43: {  	_ =	shalt  }
0x44: {  	_ =	shalt  }
0x45: {  	_ =	shalt  }
0x46: {  	_ =	shalt  }
0x47: {  	_ =	shalt  }
0x48: {  	_ =	shalt  }
0x49: {  	_ =	shalt  }
0x4a: {  	_ =	shalt  }
0x4b: {  	_ =	shalt  }
0x4c: {  	_ =	shalt  }
0x4d: {  	_ =	shalt  }
0x4e: {  	_ =	shalt  }
0x4f: {  	_ =	shalt  }
0x50: {  	_ =	shalt  }
0x51: {  	_ =	shalt  }
0x52: {  	_ =	shalt  }
0x53: {  	_ =	shalt  }
0x54: {  	_ =	shalt  }
0x55: {  	_ =	shalt  }
0x56: {  	_ =	shalt  }
0x57: {  	_ =	shalt  }
0x58: {  	_ =	shalt  }
0x59: {  	_ =	shalt  }
0x5a: {  	_ =	shalt  }
0x5b: {  	_ =	shalt  }
0x5c: {  	_ =	shalt  }
0x5d: {  	_ =	shalt  }
0x5e: {  	_ =	shalt  }
0x5f: {  	_ =	shalt  }
0x60: {  	_ =	shalt  }
0x61: {  	_ =	shalt  }
0x62: {  	_ =	shalt  }
0x63: {  	_ =	shalt  }
0x64: {  	_ =	shalt  }
0x65: {  	_ =	shalt  }
0x66: {  	_ =	shalt  }
0x67: {  	_ =	shalt  }
0x68: {  	_ =	shalt  }
0x69: {  	_ =	shalt  }
0x6a: {  	_ =	shalt  }
0x6b: {  	_ =	shalt  }
0x6c: {  	_ =	shalt  }
0x6d: {  	_ =	shalt  }
0x6e: {  	_ =	shalt  }
0x6f: {  	_ =	shalt  }
0x70: {  	_ =	shalt  }
0x71: {  	_ =	shalt  }
0x72: {  	_ =	shalt  }
0x73: {  	_ =	shalt  }
0x74: {  	_ =	shalt  }
0x75: {  	_ =	shalt  }
0x76: {  	_ =	shalt  }
0x77: {  	_ =	shalt  }
0x78: {  	_ =	shalt  }
0x79: {  	_ =	shalt  }
0x7a: {  	_ =	shalt  }
0x7b: {  	_ =	shalt  }
0x7c: {  	_ =	shalt  }
0x7d: {  	_ =	shalt  }
0x7e: {  	_ =	shalt  }
0x7f: {  	_ =	shalt  }
0x80: {  	_ =	shalt  }
0x81: {  	_ =	shalt  }
0x82: {  	_ =	shalt  }
0x83: {  	_ =	shalt  }
0x84: {  	_ =	shalt  }
0x85: {  	_ =	shalt  }
0x86: {  	_ =	shalt  }
0x87: {  	_ =	shalt  }
.Lfunc_end0:
.L_simem_size_0:
called_computation_lowered:
.L_overlay_start_0:
0x88: {  	s2 =	sld [smem:$0x3FD9]  }
0x89: {  	s3 =	sld [smem:$0x3FFE];
	_ =	sdelay $0x1  }
0x8a: {  	s1 =	srdreg.scid  }
0x8b: {  	s0 =	sand.u32 $0x1, s1  }
0x8c: {  	s17 =	sshll.u32 s0, $0xA;
	s2 =	sadd.s32 s3, s2  }
0x8d: {  	s2 =	sadd.s32 s2, s17  }
0x8e: {  	[smem:$0x3FC2] =	sst s2  }
0x8f: {  	_ = 	snop  }
0x90: {  	s2 =	sld [smem:$0x3FD0];
	(tm) =	ssettm $0x1  }
0x91: {  	s18 =	sld [smem:$0x3FFB];
	_ =	sdelay $0x3  }
0x92: {  	_ =	strace s18  }
0x93: {  	s3 =	sld [smem:$0x3FFC];
	_ =	sdelay $0x3  }
0x94: {  	_ =	strace s3  }
0x95: {  	s3 =	sld [smem:$0x3FFD];
	_ =	sdelay $0x3  }
0x96: {  	_ =	strace s3  }
0x97: {  	_ =	strace $0x8FFFFFFF  }
0x98: {  	s19 =	sld [smem:$0x3FDB];
	_ =	sdelay $0x1  }
0x99: {  	s4 =	simm.s32 $_scs_section_size  }
0x9a: {  	s5 =	simm.s32 $_size__tile_overlayer_lowered;
	s6 =	simm.s32 $_tile_overlayer_lowered  }
0x9b: {  	s22 =	simm.s32 $0x1BFF;
	s21 =	sshll.u32 s6, $0x1;
	s3 =	sadd.s32 s4, s19  }
0x9c: {  	s7 =	simm.s32 $0x0;
	s20 =	sshll.u32 s5, $0x1;
	s5 =	sadd.s32 s21, s3  }
0x9d: {  	[timem:s7], [sflag:s22] =	dma.local [hbm:s5], s20  }
0x9e: {  	_ =	swait.ge [sflag:s22], s20  }
0x9f: {  	s4 =	ssub.s32 $0x0, s20;
	[sflag:s22] =	ssyncset.done $0x0  }
0xa0: {  	[sflag:s22] =	ssyncadd.s32 s4;
	_ =	sdelay $0x1  }
0xa1: {  	s23 =	simm.s32 $0x1B8B  }
0xa2: {  	_ =	swait.ge [sflag:s23], $0x1  }
0xa3: {  	[sflag:s23] =	ssyncset.done $0x0  }
0xa4: {  	s25 =	simm.s32 $0x1B8E;
	s24 =	sld [smem:$0x3FFE];
	[sflag:s23] =	ssyncadd.s32 $0xFFFFFFFF  }
0xa5: {  	s26 =	simm.s32 $execute0_lowered;
	[smem:$0x3FD2] =	sst s25  }
0xa6: {  	s5 =	sshll.u32 s26, $0x1;
	_ =	strace $0x80000046;
	[dreg:$0x1] =	wrdreg $0xFFFFFFFF  }
0xa7: {  	s28 =	simm.s32 $_size_execute0_lowered;
	s3 =	sadd.s32 s3, s5;
	[dreg:$0x0] =	wrdreg $0x0  }
0xa8: {  	s5 =	sshll.u32 s28, $0x1;
	[dreg:$0x2] =	wrdreg s3  }
0xa9: {  	[dreg:$0x3] =	wrdreg s5  }
0xaa: {  	[dreg:$0x4] =	wrdreg $0xC0  }
0xab: {  	_ =	task [dreg:s7], $0x5FFFF  }
0xac: {  	[dreg:$0x1] =	wrdreg $0xFFFFFFFF  }
0xad: {  	[dreg:$0x0] =	wrdreg $0x60  }
0xae: {  	[dreg:$0x2] =	wrdreg s24  }
0xaf: {  	[dreg:$0x3] =	wrdreg s2  }
0xb0: {  	[dreg:$0x4] =	wrdreg $0x9  }
0xb1: {  	_ =	task.clear_ibuf [dreg:s7], $0x5FFFF;
	_ =	strace $0x90000046  }
0xb2: {  	s29 =	simm.s32 $0x9;
	_ =	strace $0x80000048  }
0xb3: {  	_ =	swait.ge [sflag:s29], $0x1  }
0xb4: {  	[sflag:s29] =	ssyncadd.s32 $0xFFFFFFFF  }
0xb5: {  	_ =	strace $0x90000048  }
0xb6: {  	_ =	sfence  }
0xb7: {  	s30 =	sld [smem:$0x0];
	_ =	sdelay $0x2  }
0xb8: {  	s31 =	sshll.u32 s1, $0xD;
	s1 =	sshrl.u32 s1, $0x2  }
0xb9: {  	s3 =	sand.u32 $0x4000, s31;
	s1 =	sadd.s32 s1, s30  }
0xba: {  	s0 =	sor.u32 s3, s0;
	s1 =	sshll.u32 s1, $0x11  }
0xbb: {  	s0 =	sor.u32 s1, s0  }
0xbc: {  	s0 =	sadd.s32 $0x8F2B, s0  }
0xbd: {  	[sflag:s0] =	ssyncadd.remote.s32 $0x1  }
0xbe: {  	_ =	sfence.sel $0xFFFF  }
0xbf: {  	[dreg:$0x0] =	wrdreg $0xFFFFFFFF;
	(pc) =	sbr.abs _section_cstart, $3  }
0xc0: {  	[dreg:$0x1] =	wrdreg $0xFFFFFFFF  }
0xc1: {  	_ =	task.clear_ibuf [dreg:s7], $0x2FFFF;
	_ =	strace $0x9FFFFFFF  }
0xc2: {  	(tm) =	ssettm $0x7FFFFFFF  }
0xc3: {  	_ =	shalt  }
tec
execute0_lowered:
.L_overlay_start_1:
0x0: {  	(tag) =	ssettag $0x1  }
0x1: {  	s1 =	srdreg.scid  }
0x2: {  	s0 =	stileid.u32;
	s4 =	rddreg [dreg:$0x0]  }
0x3: {  	s5 =	rddreg [dreg:$0x1];
	s9 =	simm.s32 $0x6400;
	s10 =	simm.s32 $0x60  }
0x4: {  	s11 =	simm.s32 $0x7E00;
	s12 =	simm.s32 $0x9600;
	s13 =	simm.s32 $0xB000  }
0x5: {  	s14 =	simm.s32 $0x1;
	s15 =	simm.s32 $0x2;
	s16 =	simm.s32 $0xC800  }
0x6: {  	s17 =	simm.s32 $0x0;
	s3 =	sand.u32 $0x1, s1;
	s30 =	sshll.u32 s0, $0x8  }
0x7: {  	s1 =	rddreg [dreg:$0x2];
	s2 =	sshll.u32 s3, $0x7;
	s8 =	ssub.s32 $0x2, s3  }
0x8: {  	s3 =	sadd.s32 $0x1A0800, s4;
	s6 =	sor.u32 s2, s30;
	s2 =	simm.s32 $0x0  }
0x9: {  	s31 =	sshrl.u32 s8, $0x1;
	s7 =	smul.u32 $0x19, s6;
	[smem:$0x7FF] =	sst s2  }
0xa: {  	s6 =	sshll.u32 s6, $0x3;
	s8 =	ssub.s32 s8, s31;
	_ =	strace $0x80000047  }
0xb: {  	s5 =	sadd.s32 s5, s6;
	s6 =	smax.u32 s8, $0x1;
	s7 =	sadd.s32 s7, s4  }
0xc: {  	s8 =	simm.s32 $0x68;
	s4 =	sadd.s32 $0xE00, s7;
	s7 =	simm.s32 $0x3  }
.LBB2_1:
0xd: {  	[tilespmem:s2], [sflag:$0x3] =	stream.linear.gather [hbm4b:s4+s2], $0x6400, $0x38;
	[tilespmem:$0xE800] =	vst v63  }
0xe: {  	_ =	swait.ge [sflag:s7], $0x6400  }
0xf: {  	[sflag:s7] =	ssyncset.done $0x0  }
0x10: {  	[sflag:s7] =	ssyncadd.s32 $0xFFFF9C00  }
0x11: {  	[tilespmem:s9], [sflag:$0x1] =	stream.indirect.gather [hbm4b:s3+s8], $0x40, s2, s8, $0xb8;
	[tilespmem:$0xE800] =	vst v63  }
0x12: {  	s18 =	simm.s32 $0x0  }
0x13: {  	[tilespmem:s11], [sflag:$0x1] =	stream.indirect.gather [hbm4b:s3+s10], $0x40, s8, s10, $0xb8;
	[tilespmem:$0xE800] =	vst v63  }
.LBB2_2:
0x14: {  	s19 =	smul.u32 $0x640, s18;
	_ =	sdelay $0x1  }
0x15: {  	s19 =	sshra.s32 s19, $0x2  }
0x16: {  	s20 =	sadd.s32 $0xC8, s19  }
0x17: {  	[tilespmem:s12], [sflag:$0x2] =	stream.indirect.gather [hbm4b:s3+s8], $0x40, s20, s8, $0xb8;
	[tilespmem:$0xE800] =	vst v63  }
0x18: {  	s19 =	sadd.s32 $0x130, s19  }
0x19: {  	[tilespmem:s13], [sflag:$0x2] =	stream.indirect.gather [hbm4b:s3+s10], $0x40, s19, s10, $0xb8;
	[tilespmem:$0xE800] =	vst v63  }
0x1a: {  	_ =	swait.ge [sflag:s14], $0x1A00  }
0x1b: {  	[sflag:s14] =	ssyncset.done $0x0  }
0x1c: {  	[sflag:s14] =	ssyncadd.s32 $0xFFFFE600  }
0x1d: {  	_ =	swait.ge [sflag:s14], $0x1800  }
0x1e: {  	[sflag:s14] =	ssyncset.done $0x0  }
0x1f: {  	s19 =	simm.s32 $0x0;
	[sflag:s14] =	ssyncadd.s32 $0xFFFFE800  }
0x20: {  	v1 =	vld [tilespmem:s19+$0x64C0]  }
0x21: {  	v0 =	vld [tilespmem:s19+$0x64D0]  }
0x22: {  	v2 =	vld [tilespmem:s19+$0x6480]  }
0x23: {  	v3 =	vld [tilespmem:s19+$0x6490]  }
0x24: {  	v4 =	vld [tilespmem:s19+$0x6440]  }
0x25: {  	v5 =	vld [tilespmem:s19+$0x6450]  }
0x26: {  	v10 =	vld [tilespmem:s19+$0x6400]  }
0x27: {  	v6 =	vimm.f32 $0.0e+00;
	v12 =	vld [tilespmem:s19+$0x6410]  }
0x28: {  	v9 =	vimm.f32 $0.0e+00;
	v8 =	vimm.f32 $0.0e+00;
	v7 =	vimm.f32 $0.0e+00;
	s20 =	simm.s32 $0x400;
	v11 =	vld [tilespmem:s19+$0x6420]  }
.LBB2_3:
0x29: {  	p0 =	sne.s32 s20, $0xC400;
	v13 =	vld [tilespmem:s19+$0x6430]  }
0x2a: {  	v14 =	vld [tilespmem:s19+$0x6460]  }
0x2b: {  	v15 =	vld [tilespmem:s19+$0x6470]  }
0x2c: {  	v16 =	vld [tilespmem:s19+$0x64A0]  }
0x2d: {  	v6 =	vadd.f32 v10, v6;
	v9 =	vadd.f32 v12, v9;
	v10 =	vld [tilespmem:s19+$0x64B0]  }
0x2e: {  	v8 =	vadd.f32 v11, v8;
	v7 =	vadd.f32 v13, v7;
	v11 =	vld [tilespmem:s19+$0x64E0]  }
0x2f: {  	v4 =	vadd.f32 v4, v6;
	v5 =	vadd.f32 v5, v9;
	v12 =	vld [tilespmem:s19+$0x64F0];
	s19 =	sshra.s32 s20, $0x2  }
0x30: {  	v6 =	vadd.f32 v14, v8;
	v13 =	vld [tilespmem:s19+$0x64C0];
	v7 =	vadd.f32 v15, v7  }
0x31: {  	v4 =	vadd.f32 v2, v4;
	v5 =	vadd.f32 v3, v5;
	v14 =	vld [tilespmem:s19+$0x64D0]  }
0x32: {  	v8 =	vadd.f32 v16, v6;
	v2 =	vld [tilespmem:s19+$0x6480];
	v7 =	vadd.f32 v10, v7  }
0x33: {  	v6 =	vadd.f32 v1, v4;
	v9 =	vadd.f32 v0, v5;
	v3 =	vld [tilespmem:s19+$0x6490]  }
.Ltmp0:
0x34: {  	v8 =	vadd.f32 v11, v8;
	v4 =	vld [tilespmem:s19+$0x6440];
	v7 =	vadd.f32 v12, v7;
	(pc) =	sbr.rel @p0 .LBB2_3-.Ltmp0, $4  }
0x35: {  	v5 =	vld [tilespmem:s19+$0x6450];
	v1 =	vmov v13  }
0x36: {  	v10 =	vld [tilespmem:s19+$0x6400];
	v0 =	vmov v14  }
0x37: {  	v12 =	vld [tilespmem:s19+$0x6410]  }
0x38: {  	s20 =	sadd.s32 $0x400, s20;
	v11 =	vld [tilespmem:s19+$0x6420]  }
0x39: {  	v13 =	vld [tilespmem:s19+$0x6430]  }
0x3a: {  	v14 =	vld [tilespmem:s19+$0x6460]  }
0x3b: {  	v15 =	vld [tilespmem:s19+$0x6470];
	v6 =	vadd.f32 v10, v6  }
0x3c: {  	v10 =	vld [tilespmem:s19+$0x64A0];
	v9 =	vadd.f32 v12, v9  }
0x3d: {  	v12 =	vld [tilespmem:s19+$0x64B0];
	v8 =	vadd.f32 v11, v8;
	v4 =	vadd.f32 v4, v6  }
0x3e: {  	v6 =	vadd.f32 v13, v7;
	v7 =	vld [tilespmem:s19+$0x64E0];
	v5 =	vadd.f32 v5, v9  }
0x3f: {  	v9 =	vld [tilespmem:s19+$0x64F0];
	v8 =	vadd.f32 v14, v8;
	v2 =	vadd.f32 v2, v4  }
0x40: {  	v4 =	vadd.f32 v15, v6;
	v3 =	vadd.f32 v3, v5  }
0x41: {  	s20 =	sshll.u32 s18, $0x1;
	s31 =	sshll.u32 s18, $0x7;
	v5 =	vadd.f32 v10, v8;
	v1 =	vadd.f32 v1, v2  }
0x42: {  	s20 =	smin.u32 s20, $0x7D;
	s19 =	sand.u32 $0x3FFFFF80, s31;
	v2 =	vadd.f32 v12, v4;
	v0 =	vadd.f32 v0, v3  }
0x43: {  	s20 =	smul.u32 $0x320, s20;
	v3 =	vadd.f32 v7, v5;
	[tilespmem:s19+$0xC800] =	vst v1  }
0x44: {  	v1 =	vadd.f32 v9, v2;
	[tilespmem:s19+$0xC810] =	vst v0  }
0x45: {  	s20 =	sshrl.u32 s20, $0x2;
	[tilespmem:s19+$0xC820] =	vst v3  }
0x46: {  	s21 =	sadd.s32 $0x190, s20;
	[tilespmem:s19+$0xC830] =	vst v1  }
0x47: {  	[tilespmem:s9], [sflag:$0x1] =	stream.indirect.gather [hbm4b:s3+s8], $0x40, s21, s8, $0xb8;
	[tilespmem:$0xE800] =	vst v63  }
0x48: {  	s20 =	sadd.s32 $0x1F8, s20  }
0x49: {  	[tilespmem:s11], [sflag:$0x1] =	stream.indirect.gather [hbm4b:s3+s10], $0x40, s20, s10, $0xb8;
	[tilespmem:$0xE800] =	vst v63  }
0x4a: {  	_ =	swait.ge [sflag:s15], $0x1A00  }
0x4b: {  	[sflag:s15] =	ssyncset.done $0x0  }
0x4c: {  	[sflag:s15] =	ssyncadd.s32 $0xFFFFE600  }
0x4d: {  	_ =	swait.ge [sflag:s15], $0x1800  }
0x4e: {  	[sflag:s15] =	ssyncset.done $0x0  }
0x4f: {  	s20 =	simm.s32 $0x0;
	[sflag:s15] =	ssyncadd.s32 $0xFFFFE800  }
0x50: {  	v0 =	vld [tilespmem:s20+$0x96C0]  }
0x51: {  	v1 =	vld [tilespmem:s20+$0x96D0]  }
0x52: {  	v2 =	vld [tilespmem:s20+$0x9680]  }
0x53: {  	v3 =	vld [tilespmem:s20+$0x9690]  }
0x54: {  	v4 =	vld [tilespmem:s20+$0x9640]  }
0x55: {  	v5 =	vld [tilespmem:s20+$0x9650]  }
0x56: {  	v10 =	vld [tilespmem:s20+$0x9600]  }
0x57: {  	v6 =	vimm.f32 $0.0e+00;
	v12 =	vld [tilespmem:s20+$0x9610]  }
0x58: {  	v8 =	vimm.f32 $0.0e+00;
	v7 =	vimm.f32 $0.0e+00;
	v9 =	vimm.f32 $0.0e+00;
	s21 =	simm.s32 $0x400;
	v11 =	vld [tilespmem:s20+$0x9620]  }
.LBB2_5:
0x59: {  	p0 =	sne.s32 s21, $0xC400;
	v13 =	vld [tilespmem:s20+$0x9630]  }
0x5a: {  	v14 =	vld [tilespmem:s20+$0x9660]  }
0x5b: {  	v15 =	vld [tilespmem:s20+$0x9670]  }
0x5c: {  	v16 =	vld [tilespmem:s20+$0x96A0]  }
0x5d: {  	v6 =	vadd.f32 v10, v6;
	v9 =	vadd.f32 v12, v9;
	v10 =	vld [tilespmem:s20+$0x96B0]  }
0x5e: {  	v8 =	vadd.f32 v11, v8;
	v7 =	vadd.f32 v13, v7;
	v11 =	vld [tilespmem:s20+$0x96E0]  }
0x5f: {  	v4 =	vadd.f32 v4, v6;
	v5 =	vadd.f32 v5, v9;
	v12 =	vld [tilespmem:s20+$0x96F0];
	s20 =	sshra.s32 s21, $0x2  }
0x60: {  	v6 =	vadd.f32 v14, v8;
	v13 =	vld [tilespmem:s20+$0x96C0];
	v7 =	vadd.f32 v15, v7  }
0x61: {  	v4 =	vadd.f32 v2, v4;
	v5 =	vadd.f32 v3, v5;
	v14 =	vld [tilespmem:s20+$0x96D0]  }
0x62: {  	v8 =	vadd.f32 v16, v6;
	v2 =	vld [tilespmem:s20+$0x9680];
	v7 =	vadd.f32 v10, v7  }
0x63: {  	v6 =	vadd.f32 v0, v4;
	v9 =	vadd.f32 v1, v5;
	v3 =	vld [tilespmem:s20+$0x9690]  }
.Ltmp1:
0x64: {  	v8 =	vadd.f32 v11, v8;
	v4 =	vld [tilespmem:s20+$0x9640];
	v7 =	vadd.f32 v12, v7;
	(pc) =	sbr.rel @p0 .LBB2_5-.Ltmp1, $4  }
0x65: {  	v5 =	vld [tilespmem:s20+$0x9650];
	v0 =	vmov v13  }
0x66: {  	v10 =	vld [tilespmem:s20+$0x9600];
	v1 =	vmov v14  }
0x67: {  	v12 =	vld [tilespmem:s20+$0x9610]  }
0x68: {  	s21 =	sadd.s32 $0x400, s21;
	v11 =	vld [tilespmem:s20+$0x9620]  }
0x69: {  	v13 =	vld [tilespmem:s20+$0x9630]  }
0x6a: {  	v14 =	vld [tilespmem:s20+$0x9660]  }
0x6b: {  	v15 =	vld [tilespmem:s20+$0x9670];
	v6 =	vadd.f32 v10, v6  }
0x6c: {  	v54 =	vld [tilespmem:s20+$0x96A0];
	v9 =	vadd.f32 v12, v9  }
0x6d: {  	v55 =	vld [tilespmem:s20+$0x96B0];
	v8 =	vadd.f32 v11, v8;
	v4 =	vadd.f32 v4, v6  }
0x6e: {  	v57 =	vld [tilespmem:s20+$0x96E0];
	v56 =	vadd.f32 v13, v7;
	v5 =	vadd.f32 v5, v9  }
0x6f: {  	v58 =	vld [tilespmem:s20+$0x96F0];
	v8 =	vadd.f32 v14, v8;
	v2 =	vadd.f32 v2, v4  }
0x70: {  	s18 =	sadd.s32 $0x1, s18;
	v59 =	vadd.f32 v15, v56;
	v3 =	vadd.f32 v3, v5  }
0x71: {  	p0 =	sne.s32 s18, $0x40;
	v60 =	vadd.f32 v54, v8;
	v0 =	vadd.f32 v0, v2  }
.Ltmp2:
0x72: {  	v61 =	vadd.f32 v55, v59;
	v1 =	vadd.f32 v1, v3;
	(pc) =	sbr.rel @p0 .LBB2_2-.Ltmp2, $4  }
0x73: {  	v62 =	vadd.f32 v57, v60;
	[tilespmem:s19+$0xC840] =	vst v0  }
0x74: {  	v63 =	vadd.f32 v58, v61;
	[tilespmem:s19+$0xC850] =	vst v1  }
0x75: {  	[tilespmem:s19+$0xC860] =	vst v62  }
0x76: {  	[tilespmem:s19+$0xC870] =	vst v63  }
0x77: {  	_ =	swait.ge [sflag:s14], $0x1A00  }
0x78: {  	[sflag:s14] =	ssyncset.done $0x0  }
0x79: {  	[sflag:s14] =	ssyncadd.s32 $0xFFFFE600  }
0x7a: {  	s17 =	sadd.s32 $0x1, s17;
	_ =	swait.ge [sflag:s14], $0x1800  }
0x7b: {  	p0 =	sne.s32 s17, s6;
	[sflag:s14] =	ssyncset.done $0x0  }
.Ltmp3:
0x7c: {  	[sflag:s14] =	ssyncadd.s32 $0xFFFFE800;
	(pc) =	sbr.rel @p0 .LBB2_1-.Ltmp3, $4  }
0x7d: {  	[hbm4b:s5+s2] =	stream.linear.scatter [tilespmem:s16], [sflag:$0x3], $0x2000, $0x38;
	[tilespmem:$0xE800] =	vst v63  }
0x7e: {  	_ =	swait.ge [sflag:s7], $0x2000  }
0x7f: {  	[sflag:s7] =	ssyncset.done $0x0  }
0x80: {  	[sflag:s7] =	ssyncadd.s32 $0xFFFFE000  }
0x81: {  	_ =	sfence.sel $0x180000  }
0x82: {  	[bflag:$0x0] =	sbarrier.arrive $0xFFFF  }
0x83: {  	p0 =	sne.s32 s0, $0x0;
	_ =	strace $0x90000047  }
0x84: {  	s0 =	sadd.s32 @!p0 $0x100000, s1;
	[bflag:$0x2] =	sbarrier.arrive $0xFFFF  }
0x85: {  	[sflag:s0] =	ssyncadd.tile.s32 @!p0 $0x1;
	_ =	shalt  }
.Lfunc_end2:
_tile_overlayer_lowered:
.L_overlay_start_2:
0x86: {  	(tag) =	ssettag $0x2  }
0x87: {  	s0 =	rddreg [dreg:$0x0];
	s2 =	stileid.u32  }
0x88: {  	s1 =	rddreg [dreg:$0x1];
	p0 =	sne.s32 s2, $0x0  }
0x89: {  	s3 =	rddreg [dreg:$0x2];
	[bflag:$0x3] =	sbarrier.arrive $0xFFFF;
	s2 =	simm.s32 @!p0 $0x1C03  }
0x8a: {  	[timem:s3], [sflag:s2] =	dma.local @!p0 [hbm:s0], s1  }
0x8b: {  	s0 =	simm.s32 @!p0 $0x3  }
0x8c: {  	_ =	swait.ge @!p0 [sflag:s0], s1  }
0x8d: {  	s1 =	ssub.s32 @!p0 $0x0, s1;
	[sflag:s0] =	ssyncset.done @!p0 $0x0  }
0x8e: {  	[sflag:s0] =	ssyncadd.s32 @!p0 s1  }
0x8f: {  	[bflag:$0x3] =	sbarrier.arrive $0xFFFF  }
0x90: {  	_ =	shalt  }

</sc_bundles>
